<compile_context>
chip_gen: v7x
topology: tpu7x:2x2x1
jax: 0.10.2.dev20260603
libtpu: 0.0.44.dev20260713+nightly
codegen_flags: <defaults>
</compile_context>

<pallas_src>
import functools

import jax
import jax.numpy as jnp
from jax import lax
from jax.experimental import pallas as pl
from jax.experimental.pallas import tpu as pltpu
from jax.experimental.pallas import tpu_sc as plsc

D_MODEL = 128
NUM_WORKERS = 32
G = 128
NBUF = 5


@functools.lru_cache(maxsize=None)
def _make_gather(B):
    assert B % (NUM_WORKERS * G * NBUF) == 0
    rows_per_worker = B // NUM_WORKERS
    groups = rows_per_worker // G
    outer = groups // NBUF
    idx_rows = groups

    mesh = plsc.VectorSubcoreMesh(core_axis_name="c", subcore_axis_name="s")

    @functools.partial(
        pl.kernel,
        mesh=mesh,
        out_type=jax.ShapeDtypeStruct((B, D_MODEL), jnp.float32),
        scratch_types=[
            pltpu.VMEM((idx_rows, G), jnp.int32),
            pltpu.VMEM((NBUF, G, D_MODEL), jnp.float32),
            [pltpu.SemaphoreType.DMA] * NBUF,
            [pltpu.SemaphoreType.DMA] * NBUF,
        ],
    )
    def gather_kernel(idx_hbm, table_hbm, out_hbm, idx_v, rows_v, gsems, ssems):
        wid = lax.axis_index("s") * 2 + lax.axis_index("c")
        out_base = wid * rows_per_worker
        pltpu.sync_copy(idx_hbm.at[pl.ds(wid * idx_rows, idx_rows)], idx_v)

        def fire_gather(g, s):
            pltpu.async_copy(table_hbm.at[idx_v.at[g]], rows_v.at[s], gsems[s])

        def wait_gather(s):
            pltpu.make_async_copy(
                table_hbm.at[idx_v.at[0]], rows_v.at[s], gsems[s]).wait()

        def fire_store(g, s):
            pltpu.async_copy(
                rows_v.at[s], out_hbm.at[pl.ds(out_base + g * G, G)], ssems[s])

        def wait_store(s):
            pltpu.make_async_copy(
                rows_v.at[s], out_hbm.at[pl.ds(out_base, G)], ssems[s]).wait()

        for s in range(NBUF):
            fire_gather(s, s)

        def body(h, carry):
            for s in range(NBUF):
                g = h * NBUF + s
                wait_gather(s)
                fire_store(g, s)
                wait_store(s)
                fire_gather(g + NBUF, s)
            return carry

        lax.fori_loop(0, outer - 1, body, 0)

        for s in range(NBUF):
            g = (outer - 1) * NBUF + s
            wait_gather(s)
            fire_store(g, s)
        for s in range(NBUF):
            wait_store(s)

    return gather_kernel


def kernel(x, weight, bandwidth_ratio):
    S0, S1 = x.shape
    B = S0 * S1
    idx = x.reshape(B // G, G).astype(jnp.int32)
    out = _make_gather(B)(idx, weight)
    return out.reshape(S0, S1, D_MODEL)

# --- scband reference (transcript-rebuilt; emitter-appended) ---
"""Pipeline reference for scband-matryoshka-embedding-16518444220787 (READ-ONLY COPY).

The authoritative reference and input builder live on the scoring server;
editing this copy changes nothing except your own understanding.
"""

import jax, jax.numpy as jnp
import numpy as np

VOCAB = 1000000
D_MODEL = 128

def setup_inputs(seed: int = 0) -> dict:
    key = jax.random.key(seed)
    k_idx, k_w = jax.random.split(key)
    x = jax.random.randint(k_idx, (4096, 200), 0, VOCAB, dtype=jnp.int64)
    weight = jax.random.normal(k_w, (VOCAB, D_MODEL), dtype=jnp.float32) * 0.02
    return {"x": x, "weight": weight, "bandwidth_ratio": jnp.asarray(1.0, dtype=jnp.float32)}

def reference(x, weight, bandwidth_ratio: float = 1.0):
    # embeddings = self.embedding(x)
    embeddings = jnp.take(weight, x, axis=0)
    # bandwidth_ratio is always 1.0, so the cutoff slice over the last axis is the
    # identity slice [:, :, :D_MODEL]; fold the traced value in so the dependence
    # remains expressed (multiplying by 1.0 is exact).
    bw = jnp.asarray(bandwidth_ratio, dtype=embeddings.dtype)
    embeddings = embeddings[:, :, :D_MODEL] * bw
    return embeddings

if __name__ == "__main__":
    import jax
    _d = setup_inputs()
    print(jax.jit(kernel)(*tuple(_d.values())))

</pallas_src>

<mosaic_0001>
#map = affine_map<(d0, d1) -> (0, 0)>
module attributes {stable_mosaic.version = 14 : i64} {
  func.func @gather_kernel(%arg0: i32, %arg1: i32, %arg2: memref<6400x128xi32, #tpu.memory_space<hbm>>, %arg3: memref<1000000x128xf32, #tpu.memory_space<hbm>>, %arg4: memref<819200x128xf32, #tpu.memory_space<hbm>>, %arg5: memref<200x128xi32, #tpu.memory_space<vmem>>, %arg6: memref<5x128x128xf32, #tpu.memory_space<vmem>>, %arg7: memref<!tpu.dma_semaphore, #tpu.memory_space<semaphore_mem>>, %arg8: memref<!tpu.dma_semaphore, #tpu.memory_space<semaphore_mem>>, %arg9: memref<!tpu.dma_semaphore, #tpu.memory_space<semaphore_mem>>, %arg10: memref<!tpu.dma_semaphore, #tpu.memory_space<semaphore_mem>>, %arg11: memref<!tpu.dma_semaphore, #tpu.memory_space<semaphore_mem>>, %arg12: memref<!tpu.dma_semaphore, #tpu.memory_space<semaphore_mem>>, %arg13: memref<!tpu.dma_semaphore, #tpu.memory_space<semaphore_mem>>, %arg14: memref<!tpu.dma_semaphore, #tpu.memory_space<semaphore_mem>>, %arg15: memref<!tpu.dma_semaphore, #tpu.memory_space<semaphore_mem>>, %arg16: memref<!tpu.dma_semaphore, #tpu.memory_space<semaphore_mem>>) attributes {dimension_semantics = [#tpu.dimension_semantics<core_parallel>, #tpu.dimension_semantics<subcore_parallel>], iteration_bounds = array<i64: 2, 16>, scalar_prefetch = 0 : i64, scratch_operands = 12 : i64, tpu.core_type = #tpu.core_type<sc_vector_subcore>, window_params = [{transform_indices = #map}, {transform_indices = #map}, {transform_indices = #map}]} {
    %mul3A = arith.constant 2 : i32
    %mul3A_0 = arith.muli %arg1, %mul3A : i32
    %add3A = arith.addi %mul3A_0, %arg0 : i32
    %mul3A_1 = arith.constant 25600 : i32
    %mul3A_2 = arith.muli %add3A, %mul3A_1 : i32
    %mul3A_3 = arith.constant 200 : i32
    %mul3A_4 = arith.muli %add3A, %mul3A_3 : i32
    "tpu.region"() ({
      %run_scoped3A = tpu.sem_alloc : memref<!tpu.dma_semaphore, #tpu.memory_space<semaphore_mem>>
      %dma_start3A_268 = arith.constant 0 : i32
      %dma_start3A_269 = tpu.memref_slice %arg2[%mul3A_4, %dma_start3A_268] : memref<6400x128xi32, #tpu.memory_space<hbm>> -> memref<200x128xi32, #tpu.memory_space<hbm>>
      %dma_start3A_270 = arith.constant 0 : i32
      %dma_start3A_271 = tpu.memref_slice %arg2[%mul3A_4, %dma_start3A_270] : memref<6400x128xi32, #tpu.memory_space<hbm>> -> memref<200x128xi32, #tpu.memory_space<hbm>>
      tpu.enqueue_dma source(%dma_start3A_271 : memref<200x128xi32, #tpu.memory_space<hbm>>) target(%arg5 : memref<200x128xi32, #tpu.memory_space<vmem>>) target_semaphore(%run_scoped3A : memref<!tpu.dma_semaphore, #tpu.memory_space<semaphore_mem>>)
      %dma_wait3A_272 = arith.constant 0 : i32
      %dma_wait3A_273 = tpu.memref_slice %arg2[%mul3A_4, %dma_wait3A_272] : memref<6400x128xi32, #tpu.memory_space<hbm>> -> memref<200x128xi32, #tpu.memory_space<hbm>>
      %dma_wait3A_274 = arith.constant 0 : i32
      %dma_wait3A_275 = tpu.memref_slice %arg2[%mul3A_4, %dma_wait3A_274] : memref<6400x128xi32, #tpu.memory_space<hbm>> -> memref<200x128xi32, #tpu.memory_space<hbm>>
      tpu.wait_dma2 semaphore(%run_scoped3A : memref<!tpu.dma_semaphore, #tpu.memory_space<semaphore_mem>>) src(%dma_wait3A_275 : memref<200x128xi32, #tpu.memory_space<hbm>>) dst(%arg5 : memref<200x128xi32, #tpu.memory_space<vmem>>)
      tpu.yield
    }) : () -> ()
    %dma_start3A = arith.constant 0 : i32
    %dma_start3A_5 = arith.constant 0 : i32
    %dma_start3A_6 = arith.constant 0 : i32
    %dma_start3A_7 = arith.constant 0 : i32
    %dma_start3A_8 = tpu.memref_slice %arg6[%dma_start3A_5, %dma_start3A_6, %dma_start3A_7] : memref<5x128x128xf32, #tpu.memory_space<vmem>> -> memref<1x128x128xf32, #tpu.memory_space<vmem>>
    %dma_start3A_9 = tpu.memref_squeeze %dma_start3A_8 : memref<1x128x128xf32, #tpu.memory_space<vmem>> -> memref<128x128xf32, #tpu.memory_space<vmem>>
    %dma_start3A_10 = arith.constant 0 : i32
    %dma_start3A_11 = tpu.memref_slice %arg5[%dma_start3A, %dma_start3A_10] : memref<200x128xi32, #tpu.memory_space<vmem>> -> memref<1x128xi32, #tpu.memory_space<vmem>>
    %dma_start3A_12 = tpu.memref_squeeze %dma_start3A_11 : memref<1x128xi32, #tpu.memory_space<vmem>> -> memref<128xi32, #tpu.memory_space<vmem>>
    %dma_start3A_13 = arith.constant 0 : i32
    %dma_start3A_14 = arith.constant 0 : i32
    %dma_start3A_15 = tpu.memref_slice %arg3[%dma_start3A_13, %dma_start3A_14] : memref<1000000x128xf32, #tpu.memory_space<hbm>> -> memref<1000000x128xf32, #tpu.memory_space<hbm>>
    tpu.enqueue_indirect_dma source(%dma_start3A_15 : memref<1000000x128xf32, #tpu.memory_space<hbm>>) target(%dma_start3A_9 : memref<128x128xf32, #tpu.memory_space<vmem>>) offsets(%dma_start3A_12 : memref<128xi32, #tpu.memory_space<vmem>>) semaphore(%arg7 : memref<!tpu.dma_semaphore, #tpu.memory_space<semaphore_mem>>)
    %dma_start3A_16 = arith.constant 1 : i32
    %dma_start3A_17 = arith.constant 1 : i32
    %dma_start3A_18 = arith.constant 0 : i32
    %dma_start3A_19 = arith.constant 0 : i32
    %dma_start3A_20 = tpu.memref_slice %arg6[%dma_start3A_17, %dma_start3A_18, %dma_start3A_19] : memref<5x128x128xf32, #tpu.memory_space<vmem>> -> memref<1x128x128xf32, #tpu.memory_space<vmem>>
    %dma_start3A_21 = tpu.memref_squeeze %dma_start3A_20 : memref<1x128x128xf32, #tpu.memory_space<vmem>> -> memref<128x128xf32, #tpu.memory_space<vmem>>
    %dma_start3A_22 = arith.constant 0 : i32
    %dma_start3A_23 = tpu.memref_slice %arg5[%dma_start3A_16, %dma_start3A_22] : memref<200x128xi32, #tpu.memory_space<vmem>> -> memref<1x128xi32, #tpu.memory_space<vmem>>
    %dma_start3A_24 = tpu.memref_squeeze %dma_start3A_23 : memref<1x128xi32, #tpu.memory_space<vmem>> -> memref<128xi32, #tpu.memory_space<vmem>>
    %dma_start3A_25 = arith.constant 0 : i32
    %dma_start3A_26 = arith.constant 0 : i32
    %dma_start3A_27 = tpu.memref_slice %arg3[%dma_start3A_25, %dma_start3A_26] : memref<1000000x128xf32, #tpu.memory_space<hbm>> -> memref<1000000x128xf32, #tpu.memory_space<hbm>>
    tpu.enqueue_indirect_dma source(%dma_start3A_27 : memref<1000000x128xf32, #tpu.memory_space<hbm>>) target(%dma_start3A_21 : memref<128x128xf32, #tpu.memory_space<vmem>>) offsets(%dma_start3A_24 : memref<128xi32, #tpu.memory_space<vmem>>) semaphore(%arg8 : memref<!tpu.dma_semaphore, #tpu.memory_space<semaphore_mem>>)
    %dma_start3A_28 = arith.constant 2 : i32
    %dma_start3A_29 = arith.constant 2 : i32
    %dma_start3A_30 = arith.constant 0 : i32
    %dma_start3A_31 = arith.constant 0 : i32
    %dma_start3A_32 = tpu.memref_slice %arg6[%dma_start3A_29, %dma_start3A_30, %dma_start3A_31] : memref<5x128x128xf32, #tpu.memory_space<vmem>> -> memref<1x128x128xf32, #tpu.memory_space<vmem>>
    %dma_start3A_33 = tpu.memref_squeeze %dma_start3A_32 : memref<1x128x128xf32, #tpu.memory_space<vmem>> -> memref<128x128xf32, #tpu.memory_space<vmem>>
    %dma_start3A_34 = arith.constant 0 : i32
    %dma_start3A_35 = tpu.memref_slice %arg5[%dma_start3A_28, %dma_start3A_34] : memref<200x128xi32, #tpu.memory_space<vmem>> -> memref<1x128xi32, #tpu.memory_space<vmem>>
    %dma_start3A_36 = tpu.memref_squeeze %dma_start3A_35 : memref<1x128xi32, #tpu.memory_space<vmem>> -> memref<128xi32, #tpu.memory_space<vmem>>
    %dma_start3A_37 = arith.constant 0 : i32
    %dma_start3A_38 = arith.constant 0 : i32
    %dma_start3A_39 = tpu.memref_slice %arg3[%dma_start3A_37, %dma_start3A_38] : memref<1000000x128xf32, #tpu.memory_space<hbm>> -> memref<1000000x128xf32, #tpu.memory_space<hbm>>
    tpu.enqueue_indirect_dma source(%dma_start3A_39 : memref<1000000x128xf32, #tpu.memory_space<hbm>>) target(%dma_start3A_33 : memref<128x128xf32, #tpu.memory_space<vmem>>) offsets(%dma_start3A_36 : memref<128xi32, #tpu.memory_space<vmem>>) semaphore(%arg9 : memref<!tpu.dma_semaphore, #tpu.memory_space<semaphore_mem>>)
    %dma_start3A_40 = arith.constant 3 : i32
    %dma_start3A_41 = arith.constant 3 : i32
    %dma_start3A_42 = arith.constant 0 : i32
    %dma_start3A_43 = arith.constant 0 : i32
    %dma_start3A_44 = tpu.memref_slice %arg6[%dma_start3A_41, %dma_start3A_42, %dma_start3A_43] : memref<5x128x128xf32, #tpu.memory_space<vmem>> -> memref<1x128x128xf32, #tpu.memory_space<vmem>>
    %dma_start3A_45 = tpu.memref_squeeze %dma_start3A_44 : memref<1x128x128xf32, #tpu.memory_space<vmem>> -> memref<128x128xf32, #tpu.memory_space<vmem>>
    %dma_start3A_46 = arith.constant 0 : i32
    %dma_start3A_47 = tpu.memref_slice %arg5[%dma_start3A_40, %dma_start3A_46] : memref<200x128xi32, #tpu.memory_space<vmem>> -> memref<1x128xi32, #tpu.memory_space<vmem>>
    %dma_start3A_48 = tpu.memref_squeeze %dma_start3A_47 : memref<1x128xi32, #tpu.memory_space<vmem>> -> memref<128xi32, #tpu.memory_space<vmem>>
    %dma_start3A_49 = arith.constant 0 : i32
    %dma_start3A_50 = arith.constant 0 : i32
    %dma_start3A_51 = tpu.memref_slice %arg3[%dma_start3A_49, %dma_start3A_50] : memref<1000000x128xf32, #tpu.memory_space<hbm>> -> memref<1000000x128xf32, #tpu.memory_space<hbm>>
    tpu.enqueue_indirect_dma source(%dma_start3A_51 : memref<1000000x128xf32, #tpu.memory_space<hbm>>) target(%dma_start3A_45 : memref<128x128xf32, #tpu.memory_space<vmem>>) offsets(%dma_start3A_48 : memref<128xi32, #tpu.memory_space<vmem>>) semaphore(%arg10 : memref<!tpu.dma_semaphore, #tpu.memory_space<semaphore_mem>>)
    %dma_start3A_52 = arith.constant 4 : i32
    %dma_start3A_53 = arith.constant 4 : i32
    %dma_start3A_54 = arith.constant 0 : i32
    %dma_start3A_55 = arith.constant 0 : i32
    %dma_start3A_56 = tpu.memref_slice %arg6[%dma_start3A_53, %dma_start3A_54, %dma_start3A_55] : memref<5x128x128xf32, #tpu.memory_space<vmem>> -> memref<1x128x128xf32, #tpu.memory_space<vmem>>
    %dma_start3A_57 = tpu.memref_squeeze %dma_start3A_56 : memref<1x128x128xf32, #tpu.memory_space<vmem>> -> memref<128x128xf32, #tpu.memory_space<vmem>>
    %dma_start3A_58 = arith.constant 0 : i32
    %dma_start3A_59 = tpu.memref_slice %arg5[%dma_start3A_52, %dma_start3A_58] : memref<200x128xi32, #tpu.memory_space<vmem>> -> memref<1x128xi32, #tpu.memory_space<vmem>>
    %dma_start3A_60 = tpu.memref_squeeze %dma_start3A_59 : memref<1x128xi32, #tpu.memory_space<vmem>> -> memref<128xi32, #tpu.memory_space<vmem>>
    %dma_start3A_61 = arith.constant 0 : i32
    %dma_start3A_62 = arith.constant 0 : i32
    %dma_start3A_63 = tpu.memref_slice %arg3[%dma_start3A_61, %dma_start3A_62] : memref<1000000x128xf32, #tpu.memory_space<hbm>> -> memref<1000000x128xf32, #tpu.memory_space<hbm>>
    tpu.enqueue_indirect_dma source(%dma_start3A_63 : memref<1000000x128xf32, #tpu.memory_space<hbm>>) target(%dma_start3A_57 : memref<128x128xf32, #tpu.memory_space<vmem>>) offsets(%dma_start3A_60 : memref<128xi32, #tpu.memory_space<vmem>>) semaphore(%arg11 : memref<!tpu.dma_semaphore, #tpu.memory_space<semaphore_mem>>)
    %scan3A = arith.constant 0 : i32
    %scan3A_64 = arith.constant 0 : i32
    %scan3A_65 = arith.constant 39 : i32
    %scan3A_66 = arith.addi %scan3A_64, %scan3A_65 : i32
    %scan3A_67 = arith.constant 1 : i32
    scf.for %scan3A_268 = %scan3A_64 to %scan3A_66 step %scan3A_67  : i32 {
      %mul3A_269 = arith.constant 5 : i32
      %mul3A_270 = arith.muli %scan3A_268, %mul3A_269 : i32
      %add3A_271 = arith.constant 0 : i32
      %add3A_272 = arith.addi %mul3A_270, %add3A_271 : i32
      %dma_wait3A_273 = arith.constant 0 : i32
      %dma_wait3A_274 = arith.constant 0 : i32
      %dma_wait3A_275 = arith.constant 0 : i32
      %dma_wait3A_276 = arith.constant 0 : i32
      %dma_wait3A_277 = tpu.memref_slice %arg6[%dma_wait3A_274, %dma_wait3A_275, %dma_wait3A_276] : memref<5x128x128xf32, #tpu.memory_space<vmem>> -> memref<1x128x128xf32, #tpu.memory_space<vmem>>
      %dma_wait3A_278 = tpu.memref_squeeze %dma_wait3A_277 : memref<1x128x128xf32, #tpu.memory_space<vmem>> -> memref<128x128xf32, #tpu.memory_space<vmem>>
      %dma_wait3A_279 = arith.constant 0 : i32
      %dma_wait3A_280 = tpu.memref_slice %arg5[%dma_wait3A_273, %dma_wait3A_279] : memref<200x128xi32, #tpu.memory_space<vmem>> -> memref<1x128xi32, #tpu.memory_space<vmem>>
      %dma_wait3A_281 = tpu.memref_squeeze %dma_wait3A_280 : memref<1x128xi32, #tpu.memory_space<vmem>> -> memref<128xi32, #tpu.memory_space<vmem>>
      %dma_wait3A_282 = arith.constant 0 : i32
      %dma_wait3A_283 = arith.constant 0 : i32
      %dma_wait3A_284 = tpu.memref_slice %arg3[%dma_wait3A_282, %dma_wait3A_283] : memref<1000000x128xf32, #tpu.memory_space<hbm>> -> memref<1000000x128xf32, #tpu.memory_space<hbm>>
      tpu.wait_indirect_dma semaphore(%arg7 : memref<!tpu.dma_semaphore, #tpu.memory_space<semaphore_mem>>) src(%dma_wait3A_284 : memref<1000000x128xf32, #tpu.memory_space<hbm>>) dst(%dma_wait3A_278 : memref<128x128xf32, #tpu.memory_space<vmem>>)
      %mul3A_285 = arith.constant 128 : i32
      %mul3A_286 = arith.muli %add3A_272, %mul3A_285 : i32
      %add3A_287 = arith.addi %mul3A_2, %mul3A_286 : i32
      %dma_start3A_288 = arith.constant 0 : i32
      %dma_start3A_289 = arith.constant 0 : i32
      %dma_start3A_290 = arith.constant 0 : i32
      %dma_start3A_291 = tpu.memref_slice %arg6[%dma_start3A_288, %dma_start3A_289, %dma_start3A_290] : memref<5x128x128xf32, #tpu.memory_space<vmem>> -> memref<1x128x128xf32, #tpu.memory_space<vmem>>
      %dma_start3A_292 = tpu.memref_squeeze %dma_start3A_291 : memref<1x128x128xf32, #tpu.memory_space<vmem>> -> memref<128x128xf32, #tpu.memory_space<vmem>>
      %dma_start3A_293 = arith.constant 0 : i32
      %dma_start3A_294 = tpu.memref_slice %arg4[%add3A_287, %dma_start3A_293] : memref<819200x128xf32, #tpu.memory_space<hbm>> -> memref<128x128xf32, #tpu.memory_space<hbm>>
      %dma_start3A_295 = arith.constant 0 : i32
      %dma_start3A_296 = tpu.memref_slice %arg4[%add3A_287, %dma_start3A_295] : memref<819200x128xf32, #tpu.memory_space<hbm>> -> memref<128x128xf32, #tpu.memory_space<hbm>>
      %dma_start3A_297 = arith.constant 0 : i32
      %dma_start3A_298 = arith.constant 0 : i32
      %dma_start3A_299 = tpu.memref_slice %arg6[%dma_start3A_288, %dma_start3A_297, %dma_start3A_298] : memref<5x128x128xf32, #tpu.memory_space<vmem>> -> memref<1x128x128xf32, #tpu.memory_space<vmem>>
      %dma_start3A_300 = tpu.memref_squeeze %dma_start3A_299 : memref<1x128x128xf32, #tpu.memory_space<vmem>> -> memref<128x128xf32, #tpu.memory_space<vmem>>
      tpu.enqueue_dma source(%dma_start3A_300 : memref<128x128xf32, #tpu.memory_space<vmem>>) target(%dma_start3A_296 : memref<128x128xf32, #tpu.memory_space<hbm>>) target_semaphore(%arg12 : memref<!tpu.dma_semaphore, #tpu.memory_space<semaphore_mem>>)
      %dma_wait3A_301 = arith.constant 0 : i32
      %dma_wait3A_302 = arith.constant 0 : i32
      %dma_wait3A_303 = arith.constant 0 : i32
      %dma_wait3A_304 = tpu.memref_slice %arg6[%dma_wait3A_301, %dma_wait3A_302, %dma_wait3A_303] : memref<5x128x128xf32, #tpu.memory_space<vmem>> -> memref<1x128x128xf32, #tpu.memory_space<vmem>>
      %dma_wait3A_305 = tpu.memref_squeeze %dma_wait3A_304 : memref<1x128x128xf32, #tpu.memory_space<vmem>> -> memref<128x128xf32, #tpu.memory_space<vmem>>
      %dma_wait3A_306 = arith.constant 0 : i32
      %dma_wait3A_307 = tpu.memref_slice %arg4[%mul3A_2, %dma_wait3A_306] : memref<819200x128xf32, #tpu.memory_space<hbm>> -> memref<128x128xf32, #tpu.memory_space<hbm>>
      %dma_wait3A_308 = arith.constant 0 : i32
      %dma_wait3A_309 = tpu.memref_slice %arg4[%mul3A_2, %dma_wait3A_308] : memref<819200x128xf32, #tpu.memory_space<hbm>> -> memref<128x128xf32, #tpu.memory_space<hbm>>
      %dma_wait3A_310 = arith.constant 0 : i32
      %dma_wait3A_311 = arith.constant 0 : i32
      %dma_wait3A_312 = tpu.memref_slice %arg6[%dma_wait3A_301, %dma_wait3A_310, %dma_wait3A_311] : memref<5x128x128xf32, #tpu.memory_space<vmem>> -> memref<1x128x128xf32, #tpu.memory_space<vmem>>
      %dma_wait3A_313 = tpu.memref_squeeze %dma_wait3A_312 : memref<1x128x128xf32, #tpu.memory_space<vmem>> -> memref<128x128xf32, #tpu.memory_space<vmem>>
      tpu.wait_dma2 semaphore(%arg12 : memref<!tpu.dma_semaphore, #tpu.memory_space<semaphore_mem>>) src(%dma_wait3A_313 : memref<128x128xf32, #tpu.memory_space<vmem>>) dst(%dma_wait3A_309 : memref<128x128xf32, #tpu.memory_space<hbm>>)
      %add3A_314 = arith.constant 5 : i32
      %add3A_315 = arith.addi %add3A_272, %add3A_314 : i32
      %dma_start3A_316 = arith.constant 0 : i32
      %dma_start3A_317 = arith.constant 0 : i32
      %dma_start3A_318 = arith.constant 0 : i32
      %dma_start3A_319 = tpu.memref_slice %arg6[%dma_start3A_316, %dma_start3A_317, %dma_start3A_318] : memref<5x128x128xf32, #tpu.memory_space<vmem>> -> memref<1x128x128xf32, #tpu.memory_space<vmem>>
      %dma_start3A_320 = tpu.memref_squeeze %dma_start3A_319 : memref<1x128x128xf32, #tpu.memory_space<vmem>> -> memref<128x128xf32, #tpu.memory_space<vmem>>
      %dma_start3A_321 = arith.constant 0 : i32
      %dma_start3A_322 = tpu.memref_slice %arg5[%add3A_315, %dma_start3A_321] : memref<200x128xi32, #tpu.memory_space<vmem>> -> memref<1x128xi32, #tpu.memory_space<vmem>>
      %dma_start3A_323 = tpu.memref_squeeze %dma_start3A_322 : memref<1x128xi32, #tpu.memory_space<vmem>> -> memref<128xi32, #tpu.memory_space<vmem>>
      %dma_start3A_324 = arith.constant 0 : i32
      %dma_start3A_325 = arith.constant 0 : i32
      %dma_start3A_326 = tpu.memref_slice %arg3[%dma_start3A_324, %dma_start3A_325] : memref<1000000x128xf32, #tpu.memory_space<hbm>> -> memref<1000000x128xf32, #tpu.memory_space<hbm>>
      tpu.enqueue_indirect_dma source(%dma_start3A_326 : memref<1000000x128xf32, #tpu.memory_space<hbm>>) target(%dma_start3A_320 : memref<128x128xf32, #tpu.memory_space<vmem>>) offsets(%dma_start3A_323 : memref<128xi32, #tpu.memory_space<vmem>>) semaphore(%arg7 : memref<!tpu.dma_semaphore, #tpu.memory_space<semaphore_mem>>)
      %mul3A_327 = arith.constant 5 : i32
      %mul3A_328 = arith.muli %scan3A_268, %mul3A_327 : i32
      %add3A_329 = arith.constant 1 : i32
      %add3A_330 = arith.addi %mul3A_328, %add3A_329 : i32
      %dma_wait3A_331 = arith.constant 0 : i32
      %dma_wait3A_332 = arith.constant 1 : i32
      %dma_wait3A_333 = arith.constant 0 : i32
      %dma_wait3A_334 = arith.constant 0 : i32
      %dma_wait3A_335 = tpu.memref_slice %arg6[%dma_wait3A_332, %dma_wait3A_333, %dma_wait3A_334] : memref<5x128x128xf32, #tpu.memory_space<vmem>> -> memref<1x128x128xf32, #tpu.memory_space<vmem>>
      %dma_wait3A_336 = tpu.memref_squeeze %dma_wait3A_335 : memref<1x128x128xf32, #tpu.memory_space<vmem>> -> memref<128x128xf32, #tpu.memory_space<vmem>>
      %dma_wait3A_337 = arith.constant 0 : i32
      %dma_wait3A_338 = tpu.memref_slice %arg5[%dma_wait3A_331, %dma_wait3A_337] : memref<200x128xi32, #tpu.memory_space<vmem>> -> memref<1x128xi32, #tpu.memory_space<vmem>>
      %dma_wait3A_339 = tpu.memref_squeeze %dma_wait3A_338 : memref<1x128xi32, #tpu.memory_space<vmem>> -> memref<128xi32, #tpu.memory_space<vmem>>
      %dma_wait3A_340 = arith.constant 0 : i32
      %dma_wait3A_341 = arith.constant 0 : i32
      %dma_wait3A_342 = tpu.memref_slice %arg3[%dma_wait3A_340, %dma_wait3A_341] : memref<1000000x128xf32, #tpu.memory_space<hbm>> -> memref<1000000x128xf32, #tpu.memory_space<hbm>>
      tpu.wait_indirect_dma semaphore(%arg8 : memref<!tpu.dma_semaphore, #tpu.memory_space<semaphore_mem>>) src(%dma_wait3A_342 : memref<1000000x128xf32, #tpu.memory_space<hbm>>) dst(%dma_wait3A_336 : memref<128x128xf32, #tpu.memory_space<vmem>>)
      %mul3A_343 = arith.constant 128 : i32
      %mul3A_344 = arith.muli %add3A_330, %mul3A_343 : i32
      %add3A_345 = arith.addi %mul3A_2, %mul3A_344 : i32
      %dma_start3A_346 = arith.constant 1 : i32
      %dma_start3A_347 = arith.constant 0 : i32
      %dma_start3A_348 = arith.constant 0 : i32
      %dma_start3A_349 = tpu.memref_slice %arg6[%dma_start3A_346, %dma_start3A_347, %dma_start3A_348] : memref<5x128x128xf32, #tpu.memory_space<vmem>> -> memref<1x128x128xf32, #tpu.memory_space<vmem>>
      %dma_start3A_350 = tpu.memref_squeeze %dma_start3A_349 : memref<1x128x128xf32, #tpu.memory_space<vmem>> -> memref<128x128xf32, #tpu.memory_space<vmem>>
      %dma_start3A_351 = arith.constant 0 : i32
      %dma_start3A_352 = tpu.memref_slice %arg4[%add3A_345, %dma_start3A_351] : memref<819200x128xf32, #tpu.memory_space<hbm>> -> memref<128x128xf32, #tpu.memory_space<hbm>>
      %dma_start3A_353 = arith.constant 0 : i32
      %dma_start3A_354 = tpu.memref_slice %arg4[%add3A_345, %dma_start3A_353] : memref<819200x128xf32, #tpu.memory_space<hbm>> -> memref<128x128xf32, #tpu.memory_space<hbm>>
      %dma_start3A_355 = arith.constant 0 : i32
      %dma_start3A_356 = arith.constant 0 : i32
      %dma_start3A_357 = tpu.memref_slice %arg6[%dma_start3A_346, %dma_start3A_355, %dma_start3A_356] : memref<5x128x128xf32, #tpu.memory_space<vmem>> -> memref<1x128x128xf32, #tpu.memory_space<vmem>>
      %dma_start3A_358 = tpu.memref_squeeze %dma_start3A_357 : memref<1x128x128xf32, #tpu.memory_space<vmem>> -> memref<128x128xf32, #tpu.memory_space<vmem>>
      tpu.enqueue_dma source(%dma_start3A_358 : memref<128x128xf32, #tpu.memory_space<vmem>>) target(%dma_start3A_354 : memref<128x128xf32, #tpu.memory_space<hbm>>) target_semaphore(%arg13 : memref<!tpu.dma_semaphore, #tpu.memory_space<semaphore_mem>>)
      %dma_wait3A_359 = arith.constant 1 : i32
      %dma_wait3A_360 = arith.constant 0 : i32
      %dma_wait3A_361 = arith.constant 0 : i32
      %dma_wait3A_362 = tpu.memref_slice %arg6[%dma_wait3A_359, %dma_wait3A_360, %dma_wait3A_361] : memref<5x128x128xf32, #tpu.memory_space<vmem>> -> memref<1x128x128xf32, #tpu.memory_space<vmem>>
      %dma_wait3A_363 = tpu.memref_squeeze %dma_wait3A_362 : memref<1x128x128xf32, #tpu.memory_space<vmem>> -> memref<128x128xf32, #tpu.memory_space<vmem>>
      %dma_wait3A_364 = arith.constant 0 : i32
      %dma_wait3A_365 = tpu.memref_slice %arg4[%mul3A_2, %dma_wait3A_364] : memref<819200x128xf32, #tpu.memory_space<hbm>> -> memref<128x128xf32, #tpu.memory_space<hbm>>
      %dma_wait3A_366 = arith.constant 0 : i32
      %dma_wait3A_367 = tpu.memref_slice %arg4[%mul3A_2, %dma_wait3A_366] : memref<819200x128xf32, #tpu.memory_space<hbm>> -> memref<128x128xf32, #tpu.memory_space<hbm>>
      %dma_wait3A_368 = arith.constant 0 : i32
      %dma_wait3A_369 = arith.constant 0 : i32
      %dma_wait3A_370 = tpu.memref_slice %arg6[%dma_wait3A_359, %dma_wait3A_368, %dma_wait3A_369] : memref<5x128x128xf32, #tpu.memory_space<vmem>> -> memref<1x128x128xf32, #tpu.memory_space<vmem>>
      %dma_wait3A_371 = tpu.memref_squeeze %dma_wait3A_370 : memref<1x128x128xf32, #tpu.memory_space<vmem>> -> memref<128x128xf32, #tpu.memory_space<vmem>>
      tpu.wait_dma2 semaphore(%arg13 : memref<!tpu.dma_semaphore, #tpu.memory_space<semaphore_mem>>) src(%dma_wait3A_371 : memref<128x128xf32, #tpu.memory_space<vmem>>) dst(%dma_wait3A_367 : memref<128x128xf32, #tpu.memory_space<hbm>>)
      %add3A_372 = arith.constant 5 : i32
      %add3A_373 = arith.addi %add3A_330, %add3A_372 : i32
      %dma_start3A_374 = arith.constant 1 : i32
      %dma_start3A_375 = arith.constant 0 : i32
      %dma_start3A_376 = arith.constant 0 : i32
      %dma_start3A_377 = tpu.memref_slice %arg6[%dma_start3A_374, %dma_start3A_375, %dma_start3A_376] : memref<5x128x128xf32, #tpu.memory_space<vmem>> -> memref<1x128x128xf32, #tpu.memory_space<vmem>>
      %dma_start3A_378 = tpu.memref_squeeze %dma_start3A_377 : memref<1x128x128xf32, #tpu.memory_space<vmem>> -> memref<128x128xf32, #tpu.memory_space<vmem>>
      %dma_start3A_379 = arith.constant 0 : i32
      %dma_start3A_380 = tpu.memref_slice %arg5[%add3A_373, %dma_start3A_379] : memref<200x128xi32, #tpu.memory_space<vmem>> -> memref<1x128xi32, #tpu.memory_space<vmem>>
      %dma_start3A_381 = tpu.memref_squeeze %dma_start3A_380 : memref<1x128xi32, #tpu.memory_space<vmem>> -> memref<128xi32, #tpu.memory_space<vmem>>
      %dma_start3A_382 = arith.constant 0 : i32
      %dma_start3A_383 = arith.constant 0 : i32
      %dma_start3A_384 = tpu.memref_slice %arg3[%dma_start3A_382, %dma_start3A_383] : memref<1000000x128xf32, #tpu.memory_space<hbm>> -> memref<1000000x128xf32, #tpu.memory_space<hbm>>
      tpu.enqueue_indirect_dma source(%dma_start3A_384 : memref<1000000x128xf32, #tpu.memory_space<hbm>>) target(%dma_start3A_378 : memref<128x128xf32, #tpu.memory_space<vmem>>) offsets(%dma_start3A_381 : memref<128xi32, #tpu.memory_space<vmem>>) semaphore(%arg8 : memref<!tpu.dma_semaphore, #tpu.memory_space<semaphore_mem>>)
      %mul3A_385 = arith.constant 5 : i32
      %mul3A_386 = arith.muli %scan3A_268, %mul3A_385 : i32
      %add3A_387 = arith.constant 2 : i32
      %add3A_388 = arith.addi %mul3A_386, %add3A_387 : i32
      %dma_wait3A_389 = arith.constant 0 : i32
      %dma_wait3A_390 = arith.constant 2 : i32
      %dma_wait3A_391 = arith.constant 0 : i32
      %dma_wait3A_392 = arith.constant 0 : i32
      %dma_wait3A_393 = tpu.memref_slice %arg6[%dma_wait3A_390, %dma_wait3A_391, %dma_wait3A_392] : memref<5x128x128xf32, #tpu.memory_space<vmem>> -> memref<1x128x128xf32, #tpu.memory_space<vmem>>
      %dma_wait3A_394 = tpu.memref_squeeze %dma_wait3A_393 : memref<1x128x128xf32, #tpu.memory_space<vmem>> -> memref<128x128xf32, #tpu.memory_space<vmem>>
      %dma_wait3A_395 = arith.constant 0 : i32
      %dma_wait3A_396 = tpu.memref_slice %arg5[%dma_wait3A_389, %dma_wait3A_395] : memref<200x128xi32, #tpu.memory_space<vmem>> -> memref<1x128xi32, #tpu.memory_space<vmem>>
      %dma_wait3A_397 = tpu.memref_squeeze %dma_wait3A_396 : memref<1x128xi32, #tpu.memory_space<vmem>> -> memref<128xi32, #tpu.memory_space<vmem>>
      %dma_wait3A_398 = arith.constant 0 : i32
      %dma_wait3A_399 = arith.constant 0 : i32
      %dma_wait3A_400 = tpu.memref_slice %arg3[%dma_wait3A_398, %dma_wait3A_399] : memref<1000000x128xf32, #tpu.memory_space<hbm>> -> memref<1000000x128xf32, #tpu.memory_space<hbm>>
      tpu.wait_indirect_dma semaphore(%arg9 : memref<!tpu.dma_semaphore, #tpu.memory_space<semaphore_mem>>) src(%dma_wait3A_400 : memref<1000000x128xf32, #tpu.memory_space<hbm>>) dst(%dma_wait3A_394 : memref<128x128xf32, #tpu.memory_space<vmem>>)
      %mul3A_401 = arith.constant 128 : i32
      %mul3A_402 = arith.muli %add3A_388, %mul3A_401 : i32
      %add3A_403 = arith.addi %mul3A_2, %mul3A_402 : i32
      %dma_start3A_404 = arith.constant 2 : i32
      %dma_start3A_405 = arith.constant 0 : i32
      %dma_start3A_406 = arith.constant 0 : i32
      %dma_start3A_407 = tpu.memref_slice %arg6[%dma_start3A_404, %dma_start3A_405, %dma_start3A_406] : memref<5x128x128xf32, #tpu.memory_space<vmem>> -> memref<1x128x128xf32, #tpu.memory_space<vmem>>
      %dma_start3A_408 = tpu.memref_squeeze %dma_start3A_407 : memref<1x128x128xf32, #tpu.memory_space<vmem>> -> memref<128x128xf32, #tpu.memory_space<vmem>>
      %dma_start3A_409 = arith.constant 0 : i32
      %dma_start3A_410 = tpu.memref_slice %arg4[%add3A_403, %dma_start3A_409] : memref<819200x128xf32, #tpu.memory_space<hbm>> -> memref<128x128xf32, #tpu.memory_space<hbm>>
      %dma_start3A_411 = arith.constant 0 : i32
      %dma_start3A_412 = tpu.memref_slice %arg4[%add3A_403, %dma_start3A_411] : memref<819200x128xf32, #tpu.memory_space<hbm>> -> memref<128x128xf32, #tpu.memory_space<hbm>>
      %dma_start3A_413 = arith.constant 0 : i32
      %dma_start3A_414 = arith.constant 0 : i32
      %dma_start3A_415 = tpu.memref_slice %arg6[%dma_start3A_404, %dma_start3A_413, %dma_start3A_414] : memref<5x128x128xf32, #tpu.memory_space<vmem>> -> memref<1x128x128xf32, #tpu.memory_space<vmem>>
      %dma_start3A_416 = tpu.memref_squeeze %dma_start3A_415 : memref<1x128x128xf32, #tpu.memory_space<vmem>> -> memref<128x128xf32, #tpu.memory_space<vmem>>
      tpu.enqueue_dma source(%dma_start3A_416 : memref<128x128xf32, #tpu.memory_space<vmem>>) target(%dma_start3A_412 : memref<128x128xf32, #tpu.memory_space<hbm>>) target_semaphore(%arg14 : memref<!tpu.dma_semaphore, #tpu.memory_space<semaphore_mem>>)
      %dma_wait3A_417 = arith.constant 2 : i32
      %dma_wait3A_418 = arith.constant 0 : i32
      %dma_wait3A_419 = arith.constant 0 : i32
      %dma_wait3A_420 = tpu.memref_slice %arg6[%dma_wait3A_417, %dma_wait3A_418, %dma_wait3A_419] : memref<5x128x128xf32, #tpu.memory_space<vmem>> -> memref<1x128x128xf32, #tpu.memory_space<vmem>>
      %dma_wait3A_421 = tpu.memref_squeeze %dma_wait3A_420 : memref<1x128x128xf32, #tpu.memory_space<vmem>> -> memref<128x128xf32, #tpu.memory_space<vmem>>
      %dma_wait3A_422 = arith.constant 0 : i32
      %dma_wait3A_423 = tpu.memref_slice %arg4[%mul3A_2, %dma_wait3A_422] : memref<819200x128xf32, #tpu.memory_space<hbm>> -> memref<128x128xf32, #tpu.memory_space<hbm>>
      %dma_wait3A_424 = arith.constant 0 : i32
      %dma_wait3A_425 = tpu.memref_slice %arg4[%mul3A_2, %dma_wait3A_424] : memref<819200x128xf32, #tpu.memory_space<hbm>> -> memref<128x128xf32, #tpu.memory_space<hbm>>
      %dma_wait3A_426 = arith.constant 0 : i32
      %dma_wait3A_427 = arith.constant 0 : i32
      %dma_wait3A_428 = tpu.memref_slice %arg6[%dma_wait3A_417, %dma_wait3A_426, %dma_wait3A_427] : memref<5x128x128xf32, #tpu.memory_space<vmem>> -> memref<1x128x128xf32, #tpu.memory_space<vmem>>
      %dma_wait3A_429 = tpu.memref_squeeze %dma_wait3A_428 : memref<1x128x128xf32, #tpu.memory_space<vmem>> -> memref<128x128xf32, #tpu.memory_space<vmem>>
      tpu.wait_dma2 semaphore(%arg14 : memref<!tpu.dma_semaphore, #tpu.memory_space<semaphore_mem>>) src(%dma_wait3A_429 : memref<128x128xf32, #tpu.memory_space<vmem>>) dst(%dma_wait3A_425 : memref<128x128xf32, #tpu.memory_space<hbm>>)
      %add3A_430 = arith.constant 5 : i32
      %add3A_431 = arith.addi %add3A_388, %add3A_430 : i32
      %dma_start3A_432 = arith.constant 2 : i32
      %dma_start3A_433 = arith.constant 0 : i32
      %dma_start3A_434 = arith.constant 0 : i32
      %dma_start3A_435 = tpu.memref_slice %arg6[%dma_start3A_432, %dma_start3A_433, %dma_start3A_434] : memref<5x128x128xf32, #tpu.memory_space<vmem>> -> memref<1x128x128xf32, #tpu.memory_space<vmem>>
      %dma_start3A_436 = tpu.memref_squeeze %dma_start3A_435 : memref<1x128x128xf32, #tpu.memory_space<vmem>> -> memref<128x128xf32, #tpu.memory_space<vmem>>
      %dma_start3A_437 = arith.constant 0 : i32
      %dma_start3A_438 = tpu.memref_slice %arg5[%add3A_431, %dma_start3A_437] : memref<200x128xi32, #tpu.memory_space<vmem>> -> memref<1x128xi32, #tpu.memory_space<vmem>>
      %dma_start3A_439 = tpu.memref_squeeze %dma_start3A_438 : memref<1x128xi32, #tpu.memory_space<vmem>> -> memref<128xi32, #tpu.memory_space<vmem>>
      %dma_start3A_440 = arith.constant 0 : i32
      %dma_start3A_441 = arith.constant 0 : i32
      %dma_start3A_442 = tpu.memref_slice %arg3[%dma_start3A_440, %dma_start3A_441] : memref<1000000x128xf32, #tpu.memory_space<hbm>> -> memref<1000000x128xf32, #tpu.memory_space<hbm>>
      tpu.enqueue_indirect_dma source(%dma_start3A_442 : memref<1000000x128xf32, #tpu.memory_space<hbm>>) target(%dma_start3A_436 : memref<128x128xf32, #tpu.memory_space<vmem>>) offsets(%dma_start3A_439 : memref<128xi32, #tpu.memory_space<vmem>>) semaphore(%arg9 : memref<!tpu.dma_semaphore, #tpu.memory_space<semaphore_mem>>)
      %mul3A_443 = arith.constant 5 : i32
      %mul3A_444 = arith.muli %scan3A_268, %mul3A_443 : i32
      %add3A_445 = arith.constant 3 : i32
      %add3A_446 = arith.addi %mul3A_444, %add3A_445 : i32
      %dma_wait3A_447 = arith.constant 0 : i32
      %dma_wait3A_448 = arith.constant 3 : i32
      %dma_wait3A_449 = arith.constant 0 : i32
      %dma_wait3A_450 = arith.constant 0 : i32
      %dma_wait3A_451 = tpu.memref_slice %arg6[%dma_wait3A_448, %dma_wait3A_449, %dma_wait3A_450] : memref<5x128x128xf32, #tpu.memory_space<vmem>> -> memref<1x128x128xf32, #tpu.memory_space<vmem>>
      %dma_wait3A_452 = tpu.memref_squeeze %dma_wait3A_451 : memref<1x128x128xf32, #tpu.memory_space<vmem>> -> memref<128x128xf32, #tpu.memory_space<vmem>>
      %dma_wait3A_453 = arith.constant 0 : i32
      %dma_wait3A_454 = tpu.memref_slice %arg5[%dma_wait3A_447, %dma_wait3A_453] : memref<200x128xi32, #tpu.memory_space<vmem>> -> memref<1x128xi32, #tpu.memory_space<vmem>>
      %dma_wait3A_455 = tpu.memref_squeeze %dma_wait3A_454 : memref<1x128xi32, #tpu.memory_space<vmem>> -> memref<128xi32, #tpu.memory_space<vmem>>
      %dma_wait3A_456 = arith.constant 0 : i32
      %dma_wait3A_457 = arith.constant 0 : i32
      %dma_wait3A_458 = tpu.memref_slice %arg3[%dma_wait3A_456, %dma_wait3A_457] : memref<1000000x128xf32, #tpu.memory_space<hbm>> -> memref<1000000x128xf32, #tpu.memory_space<hbm>>
      tpu.wait_indirect_dma semaphore(%arg10 : memref<!tpu.dma_semaphore, #tpu.memory_space<semaphore_mem>>) src(%dma_wait3A_458 : memref<1000000x128xf32, #tpu.memory_space<hbm>>) dst(%dma_wait3A_452 : memref<128x128xf32, #tpu.memory_space<vmem>>)
      %mul3A_459 = arith.constant 128 : i32
      %mul3A_460 = arith.muli %add3A_446, %mul3A_459 : i32
      %add3A_461 = arith.addi %mul3A_2, %mul3A_460 : i32
      %dma_start3A_462 = arith.constant 3 : i32
      %dma_start3A_463 = arith.constant 0 : i32
      %dma_start3A_464 = arith.constant 0 : i32
      %dma_start3A_465 = tpu.memref_slice %arg6[%dma_start3A_462, %dma_start3A_463, %dma_start3A_464] : memref<5x128x128xf32, #tpu.memory_space<vmem>> -> memref<1x128x128xf32, #tpu.memory_space<vmem>>
      %dma_start3A_466 = tpu.memref_squeeze %dma_start3A_465 : memref<1x128x128xf32, #tpu.memory_space<vmem>> -> memref<128x128xf32, #tpu.memory_space<vmem>>
      %dma_start3A_467 = arith.constant 0 : i32
      %dma_start3A_468 = tpu.memref_slice %arg4[%add3A_461, %dma_start3A_467] : memref<819200x128xf32, #tpu.memory_space<hbm>> -> memref<128x128xf32, #tpu.memory_space<hbm>>
      %dma_start3A_469 = arith.constant 0 : i32
      %dma_start3A_470 = tpu.memref_slice %arg4[%add3A_461, %dma_start3A_469] : memref<819200x128xf32, #tpu.memory_space<hbm>> -> memref<128x128xf32, #tpu.memory_space<hbm>>
      %dma_start3A_471 = arith.constant 0 : i32
      %dma_start3A_472 = arith.constant 0 : i32
      %dma_start3A_473 = tpu.memref_slice %arg6[%dma_start3A_462, %dma_start3A_471, %dma_start3A_472] : memref<5x128x128xf32, #tpu.memory_space<vmem>> -> memref<1x128x128xf32, #tpu.memory_space<vmem>>
      %dma_start3A_474 = tpu.memref_squeeze %dma_start3A_473 : memref<1x128x128xf32, #tpu.memory_space<vmem>> -> memref<128x128xf32, #tpu.memory_space<vmem>>
      tpu.enqueue_dma source(%dma_start3A_474 : memref<128x128xf32, #tpu.memory_space<vmem>>) target(%dma_start3A_470 : memref<128x128xf32, #tpu.memory_space<hbm>>) target_semaphore(%arg15 : memref<!tpu.dma_semaphore, #tpu.memory_space<semaphore_mem>>)
      %dma_wait3A_475 = arith.constant 3 : i32
      %dma_wait3A_476 = arith.constant 0 : i32
      %dma_wait3A_477 = arith.constant 0 : i32
      %dma_wait3A_478 = tpu.memref_slice %arg6[%dma_wait3A_475, %dma_wait3A_476, %dma_wait3A_477] : memref<5x128x128xf32, #tpu.memory_space<vmem>> -> memref<1x128x128xf32, #tpu.memory_space<vmem>>
      %dma_wait3A_479 = tpu.memref_squeeze %dma_wait3A_478 : memref<1x128x128xf32, #tpu.memory_space<vmem>> -> memref<128x128xf32, #tpu.memory_space<vmem>>
      %dma_wait3A_480 = arith.constant 0 : i32
      %dma_wait3A_481 = tpu.memref_slice %arg4[%mul3A_2, %dma_wait3A_480] : memref<819200x128xf32, #tpu.memory_space<hbm>> -> memref<128x128xf32, #tpu.memory_space<hbm>>
      %dma_wait3A_482 = arith.constant 0 : i32
      %dma_wait3A_483 = tpu.memref_slice %arg4[%mul3A_2, %dma_wait3A_482] : memref<819200x128xf32, #tpu.memory_space<hbm>> -> memref<128x128xf32, #tpu.memory_space<hbm>>
      %dma_wait3A_484 = arith.constant 0 : i32
      %dma_wait3A_485 = arith.constant 0 : i32
      %dma_wait3A_486 = tpu.memref_slice %arg6[%dma_wait3A_475, %dma_wait3A_484, %dma_wait3A_485] : memref<5x128x128xf32, #tpu.memory_space<vmem>> -> memref<1x128x128xf32, #tpu.memory_space<vmem>>
      %dma_wait3A_487 = tpu.memref_squeeze %dma_wait3A_486 : memref<1x128x128xf32, #tpu.memory_space<vmem>> -> memref<128x128xf32, #tpu.memory_space<vmem>>
      tpu.wait_dma2 semaphore(%arg15 : memref<!tpu.dma_semaphore, #tpu.memory_space<semaphore_mem>>) src(%dma_wait3A_487 : memref<128x128xf32, #tpu.memory_space<vmem>>) dst(%dma_wait3A_483 : memref<128x128xf32, #tpu.memory_space<hbm>>)
      %add3A_488 = arith.constant 5 : i32
      %add3A_489 = arith.addi %add3A_446, %add3A_488 : i32
      %dma_start3A_490 = arith.constant 3 : i32
      %dma_start3A_491 = arith.constant 0 : i32
      %dma_start3A_492 = arith.constant 0 : i32
      %dma_start3A_493 = tpu.memref_slice %arg6[%dma_start3A_490, %dma_start3A_491, %dma_start3A_492] : memref<5x128x128xf32, #tpu.memory_space<vmem>> -> memref<1x128x128xf32, #tpu.memory_space<vmem>>
      %dma_start3A_494 = tpu.memref_squeeze %dma_start3A_493 : memref<1x128x128xf32, #tpu.memory_space<vmem>> -> memref<128x128xf32, #tpu.memory_space<vmem>>
      %dma_start3A_495 = arith.constant 0 : i32
      %dma_start3A_496 = tpu.memref_slice %arg5[%add3A_489, %dma_start3A_495] : memref<200x128xi32, #tpu.memory_space<vmem>> -> memref<1x128xi32, #tpu.memory_space<vmem>>
      %dma_start3A_497 = tpu.memref_squeeze %dma_start3A_496 : memref<1x128xi32, #tpu.memory_space<vmem>> -> memref<128xi32, #tpu.memory_space<vmem>>
      %dma_start3A_498 = arith.constant 0 : i32
      %dma_start3A_499 = arith.constant 0 : i32
      %dma_start3A_500 = tpu.memref_slice %arg3[%dma_start3A_498, %dma_start3A_499] : memref<1000000x128xf32, #tpu.memory_space<hbm>> -> memref<1000000x128xf32, #tpu.memory_space<hbm>>
      tpu.enqueue_indirect_dma source(%dma_start3A_500 : memref<1000000x128xf32, #tpu.memory_space<hbm>>) target(%dma_start3A_494 : memref<128x128xf32, #tpu.memory_space<vmem>>) offsets(%dma_start3A_497 : memref<128xi32, #tpu.memory_space<vmem>>) semaphore(%arg10 : memref<!tpu.dma_semaphore, #tpu.memory_space<semaphore_mem>>)
      %mul3A_501 = arith.constant 5 : i32
      %mul3A_502 = arith.muli %scan3A_268, %mul3A_501 : i32
      %add3A_503 = arith.constant 4 : i32
      %add3A_504 = arith.addi %mul3A_502, %add3A_503 : i32
      %dma_wait3A_505 = arith.constant 0 : i32
      %dma_wait3A_506 = arith.constant 4 : i32
      %dma_wait3A_507 = arith.constant 0 : i32
      %dma_wait3A_508 = arith.constant 0 : i32
      %dma_wait3A_509 = tpu.memref_slice %arg6[%dma_wait3A_506, %dma_wait3A_507, %dma_wait3A_508] : memref<5x128x128xf32, #tpu.memory_space<vmem>> -> memref<1x128x128xf32, #tpu.memory_space<vmem>>
      %dma_wait3A_510 = tpu.memref_squeeze %dma_wait3A_509 : memref<1x128x128xf32, #tpu.memory_space<vmem>> -> memref<128x128xf32, #tpu.memory_space<vmem>>
      %dma_wait3A_511 = arith.constant 0 : i32
      %dma_wait3A_512 = tpu.memref_slice %arg5[%dma_wait3A_505, %dma_wait3A_511] : memref<200x128xi32, #tpu.memory_space<vmem>> -> memref<1x128xi32, #tpu.memory_space<vmem>>
      %dma_wait3A_513 = tpu.memref_squeeze %dma_wait3A_512 : memref<1x128xi32, #tpu.memory_space<vmem>> -> memref<128xi32, #tpu.memory_space<vmem>>
      %dma_wait3A_514 = arith.constant 0 : i32
      %dma_wait3A_515 = arith.constant 0 : i32
      %dma_wait3A_516 = tpu.memref_slice %arg3[%dma_wait3A_514, %dma_wait3A_515] : memref<1000000x128xf32, #tpu.memory_space<hbm>> -> memref<1000000x128xf32, #tpu.memory_space<hbm>>
      tpu.wait_indirect_dma semaphore(%arg11 : memref<!tpu.dma_semaphore, #tpu.memory_space<semaphore_mem>>) src(%dma_wait3A_516 : memref<1000000x128xf32, #tpu.memory_space<hbm>>) dst(%dma_wait3A_510 : memref<128x128xf32, #tpu.memory_space<vmem>>)
      %mul3A_517 = arith.constant 128 : i32
      %mul3A_518 = arith.muli %add3A_504, %mul3A_517 : i32
      %add3A_519 = arith.addi %mul3A_2, %mul3A_518 : i32
      %dma_start3A_520 = arith.constant 4 : i32
      %dma_start3A_521 = arith.constant 0 : i32
      %dma_start3A_522 = arith.constant 0 : i32
      %dma_start3A_523 = tpu.memref_slice %arg6[%dma_start3A_520, %dma_start3A_521, %dma_start3A_522] : memref<5x128x128xf32, #tpu.memory_space<vmem>> -> memref<1x128x128xf32, #tpu.memory_space<vmem>>
      %dma_start3A_524 = tpu.memref_squeeze %dma_start3A_523 : memref<1x128x128xf32, #tpu.memory_space<vmem>> -> memref<128x128xf32, #tpu.memory_space<vmem>>
      %dma_start3A_525 = arith.constant 0 : i32
      %dma_start3A_526 = tpu.memref_slice %arg4[%add3A_519, %dma_start3A_525] : memref<819200x128xf32, #tpu.memory_space<hbm>> -> memref<128x128xf32, #tpu.memory_space<hbm>>
      %dma_start3A_527 = arith.constant 0 : i32
      %dma_start3A_528 = tpu.memref_slice %arg4[%add3A_519, %dma_start3A_527] : memref<819200x128xf32, #tpu.memory_space<hbm>> -> memref<128x128xf32, #tpu.memory_space<hbm>>
      %dma_start3A_529 = arith.constant 0 : i32
      %dma_start3A_530 = arith.constant 0 : i32
      %dma_start3A_531 = tpu.memref_slice %arg6[%dma_start3A_520, %dma_start3A_529, %dma_start3A_530] : memref<5x128x128xf32, #tpu.memory_space<vmem>> -> memref<1x128x128xf32, #tpu.memory_space<vmem>>
      %dma_start3A_532 = tpu.memref_squeeze %dma_start3A_531 : memref<1x128x128xf32, #tpu.memory_space<vmem>> -> memref<128x128xf32, #tpu.memory_space<vmem>>
      tpu.enqueue_dma source(%dma_start3A_532 : memref<128x128xf32, #tpu.memory_space<vmem>>) target(%dma_start3A_528 : memref<128x128xf32, #tpu.memory_space<hbm>>) target_semaphore(%arg16 : memref<!tpu.dma_semaphore, #tpu.memory_space<semaphore_mem>>)
      %dma_wait3A_533 = arith.constant 4 : i32
      %dma_wait3A_534 = arith.constant 0 : i32
      %dma_wait3A_535 = arith.constant 0 : i32
      %dma_wait3A_536 = tpu.memref_slice %arg6[%dma_wait3A_533, %dma_wait3A_534, %dma_wait3A_535] : memref<5x128x128xf32, #tpu.memory_space<vmem>> -> memref<1x128x128xf32, #tpu.memory_space<vmem>>
      %dma_wait3A_537 = tpu.memref_squeeze %dma_wait3A_536 : memref<1x128x128xf32, #tpu.memory_space<vmem>> -> memref<128x128xf32, #tpu.memory_space<vmem>>
      %dma_wait3A_538 = arith.constant 0 : i32
      %dma_wait3A_539 = tpu.memref_slice %arg4[%mul3A_2, %dma_wait3A_538] : memref<819200x128xf32, #tpu.memory_space<hbm>> -> memref<128x128xf32, #tpu.memory_space<hbm>>
      %dma_wait3A_540 = arith.constant 0 : i32
      %dma_wait3A_541 = tpu.memref_slice %arg4[%mul3A_2, %dma_wait3A_540] : memref<819200x128xf32, #tpu.memory_space<hbm>> -> memref<128x128xf32, #tpu.memory_space<hbm>>
      %dma_wait3A_542 = arith.constant 0 : i32
      %dma_wait3A_543 = arith.constant 0 : i32
      %dma_wait3A_544 = tpu.memref_slice %arg6[%dma_wait3A_533, %dma_wait3A_542, %dma_wait3A_543] : memref<5x128x128xf32, #tpu.memory_space<vmem>> -> memref<1x128x128xf32, #tpu.memory_space<vmem>>
      %dma_wait3A_545 = tpu.memref_squeeze %dma_wait3A_544 : memref<1x128x128xf32, #tpu.memory_space<vmem>> -> memref<128x128xf32, #tpu.memory_space<vmem>>
      tpu.wait_dma2 semaphore(%arg16 : memref<!tpu.dma_semaphore, #tpu.memory_space<semaphore_mem>>) src(%dma_wait3A_545 : memref<128x128xf32, #tpu.memory_space<vmem>>) dst(%dma_wait3A_541 : memref<128x128xf32, #tpu.memory_space<hbm>>)
      %add3A_546 = arith.constant 5 : i32
      %add3A_547 = arith.addi %add3A_504, %add3A_546 : i32
      %dma_start3A_548 = arith.constant 4 : i32
      %dma_start3A_549 = arith.constant 0 : i32
      %dma_start3A_550 = arith.constant 0 : i32
      %dma_start3A_551 = tpu.memref_slice %arg6[%dma_start3A_548, %dma_start3A_549, %dma_start3A_550] : memref<5x128x128xf32, #tpu.memory_space<vmem>> -> memref<1x128x128xf32, #tpu.memory_space<vmem>>
      %dma_start3A_552 = tpu.memref_squeeze %dma_start3A_551 : memref<1x128x128xf32, #tpu.memory_space<vmem>> -> memref<128x128xf32, #tpu.memory_space<vmem>>
      %dma_start3A_553 = arith.constant 0 : i32
      %dma_start3A_554 = tpu.memref_slice %arg5[%add3A_547, %dma_start3A_553] : memref<200x128xi32, #tpu.memory_space<vmem>> -> memref<1x128xi32, #tpu.memory_space<vmem>>
      %dma_start3A_555 = tpu.memref_squeeze %dma_start3A_554 : memref<1x128xi32, #tpu.memory_space<vmem>> -> memref<128xi32, #tpu.memory_space<vmem>>
      %dma_start3A_556 = arith.constant 0 : i32
      %dma_start3A_557 = arith.constant 0 : i32
      %dma_start3A_558 = tpu.memref_slice %arg3[%dma_start3A_556, %dma_start3A_557] : memref<1000000x128xf32, #tpu.memory_space<hbm>> -> memref<1000000x128xf32, #tpu.memory_space<hbm>>
      tpu.enqueue_indirect_dma source(%dma_start3A_558 : memref<1000000x128xf32, #tpu.memory_space<hbm>>) target(%dma_start3A_552 : memref<128x128xf32, #tpu.memory_space<vmem>>) offsets(%dma_start3A_555 : memref<128xi32, #tpu.memory_space<vmem>>) semaphore(%arg11 : memref<!tpu.dma_semaphore, #tpu.memory_space<semaphore_mem>>)
    }
    %scan3A_68 = arith.constant 39 : i32
    %dma_wait3A = arith.constant 0 : i32
    %dma_wait3A_69 = arith.constant 0 : i32
    %dma_wait3A_70 = arith.constant 0 : i32
    %dma_wait3A_71 = arith.constant 0 : i32
    %dma_wait3A_72 = tpu.memref_slice %arg6[%dma_wait3A_69, %dma_wait3A_70, %dma_wait3A_71] : memref<5x128x128xf32, #tpu.memory_space<vmem>> -> memref<1x128x128xf32, #tpu.memory_space<vmem>>
    %dma_wait3A_73 = tpu.memref_squeeze %dma_wait3A_72 : memref<1x128x128xf32, #tpu.memory_space<vmem>> -> memref<128x128xf32, #tpu.memory_space<vmem>>
    %dma_wait3A_74 = arith.constant 0 : i32
    %dma_wait3A_75 = tpu.memref_slice %arg5[%dma_wait3A, %dma_wait3A_74] : memref<200x128xi32, #tpu.memory_space<vmem>> -> memref<1x128xi32, #tpu.memory_space<vmem>>
    %dma_wait3A_76 = tpu.memref_squeeze %dma_wait3A_75 : memref<1x128xi32, #tpu.memory_space<vmem>> -> memref<128xi32, #tpu.memory_space<vmem>>
    %dma_wait3A_77 = arith.constant 0 : i32
    %dma_wait3A_78 = arith.constant 0 : i32
    %dma_wait3A_79 = tpu.memref_slice %arg3[%dma_wait3A_77, %dma_wait3A_78] : memref<1000000x128xf32, #tpu.memory_space<hbm>> -> memref<1000000x128xf32, #tpu.memory_space<hbm>>
    tpu.wait_indirect_dma semaphore(%arg7 : memref<!tpu.dma_semaphore, #tpu.memory_space<semaphore_mem>>) src(%dma_wait3A_79 : memref<1000000x128xf32, #tpu.memory_space<hbm>>) dst(%dma_wait3A_73 : memref<128x128xf32, #tpu.memory_space<vmem>>)
    %add3A_80 = arith.constant 24960 : i32
    %add3A_81 = arith.addi %mul3A_2, %add3A_80 : i32
    %dma_start3A_82 = arith.constant 0 : i32
    %dma_start3A_83 = arith.constant 0 : i32
    %dma_start3A_84 = arith.constant 0 : i32
    %dma_start3A_85 = tpu.memref_slice %arg6[%dma_start3A_82, %dma_start3A_83, %dma_start3A_84] : memref<5x128x128xf32, #tpu.memory_space<vmem>> -> memref<1x128x128xf32, #tpu.memory_space<vmem>>
    %dma_start3A_86 = tpu.memref_squeeze %dma_start3A_85 : memref<1x128x128xf32, #tpu.memory_space<vmem>> -> memref<128x128xf32, #tpu.memory_space<vmem>>
    %dma_start3A_87 = arith.constant 0 : i32
    %dma_start3A_88 = tpu.memref_slice %arg4[%add3A_81, %dma_start3A_87] : memref<819200x128xf32, #tpu.memory_space<hbm>> -> memref<128x128xf32, #tpu.memory_space<hbm>>
    %dma_start3A_89 = arith.constant 0 : i32
    %dma_start3A_90 = tpu.memref_slice %arg4[%add3A_81, %dma_start3A_89] : memref<819200x128xf32, #tpu.memory_space<hbm>> -> memref<128x128xf32, #tpu.memory_space<hbm>>
    %dma_start3A_91 = arith.constant 0 : i32
    %dma_start3A_92 = arith.constant 0 : i32
    %dma_start3A_93 = tpu.memref_slice %arg6[%dma_start3A_82, %dma_start3A_91, %dma_start3A_92] : memref<5x128x128xf32, #tpu.memory_space<vmem>> -> memref<1x128x128xf32, #tpu.memory_space<vmem>>
    %dma_start3A_94 = tpu.memref_squeeze %dma_start3A_93 : memref<1x128x128xf32, #tpu.memory_space<vmem>> -> memref<128x128xf32, #tpu.memory_space<vmem>>
    tpu.enqueue_dma source(%dma_start3A_94 : memref<128x128xf32, #tpu.memory_space<vmem>>) target(%dma_start3A_90 : memref<128x128xf32, #tpu.memory_space<hbm>>) target_semaphore(%arg12 : memref<!tpu.dma_semaphore, #tpu.memory_space<semaphore_mem>>)
    %dma_wait3A_95 = arith.constant 0 : i32
    %dma_wait3A_96 = arith.constant 1 : i32
    %dma_wait3A_97 = arith.constant 0 : i32
    %dma_wait3A_98 = arith.constant 0 : i32
    %dma_wait3A_99 = tpu.memref_slice %arg6[%dma_wait3A_96, %dma_wait3A_97, %dma_wait3A_98] : memref<5x128x128xf32, #tpu.memory_space<vmem>> -> memref<1x128x128xf32, #tpu.memory_space<vmem>>
    %dma_wait3A_100 = tpu.memref_squeeze %dma_wait3A_99 : memref<1x128x128xf32, #tpu.memory_space<vmem>> -> memref<128x128xf32, #tpu.memory_space<vmem>>
    %dma_wait3A_101 = arith.constant 0 : i32
    %dma_wait3A_102 = tpu.memref_slice %arg5[%dma_wait3A_95, %dma_wait3A_101] : memref<200x128xi32, #tpu.memory_space<vmem>> -> memref<1x128xi32, #tpu.memory_space<vmem>>
    %dma_wait3A_103 = tpu.memref_squeeze %dma_wait3A_102 : memref<1x128xi32, #tpu.memory_space<vmem>> -> memref<128xi32, #tpu.memory_space<vmem>>
    %dma_wait3A_104 = arith.constant 0 : i32
    %dma_wait3A_105 = arith.constant 0 : i32
    %dma_wait3A_106 = tpu.memref_slice %arg3[%dma_wait3A_104, %dma_wait3A_105] : memref<1000000x128xf32, #tpu.memory_space<hbm>> -> memref<1000000x128xf32, #tpu.memory_space<hbm>>
    tpu.wait_indirect_dma semaphore(%arg8 : memref<!tpu.dma_semaphore, #tpu.memory_space<semaphore_mem>>) src(%dma_wait3A_106 : memref<1000000x128xf32, #tpu.memory_space<hbm>>) dst(%dma_wait3A_100 : memref<128x128xf32, #tpu.memory_space<vmem>>)
    %add3A_107 = arith.constant 25088 : i32
    %add3A_108 = arith.addi %mul3A_2, %add3A_107 : i32
    %dma_start3A_109 = arith.constant 1 : i32
    %dma_start3A_110 = arith.constant 0 : i32
    %dma_start3A_111 = arith.constant 0 : i32
    %dma_start3A_112 = tpu.memref_slice %arg6[%dma_start3A_109, %dma_start3A_110, %dma_start3A_111] : memref<5x128x128xf32, #tpu.memory_space<vmem>> -> memref<1x128x128xf32, #tpu.memory_space<vmem>>
    %dma_start3A_113 = tpu.memref_squeeze %dma_start3A_112 : memref<1x128x128xf32, #tpu.memory_space<vmem>> -> memref<128x128xf32, #tpu.memory_space<vmem>>
    %dma_start3A_114 = arith.constant 0 : i32
    %dma_start3A_115 = tpu.memref_slice %arg4[%add3A_108, %dma_start3A_114] : memref<819200x128xf32, #tpu.memory_space<hbm>> -> memref<128x128xf32, #tpu.memory_space<hbm>>
    %dma_start3A_116 = arith.constant 0 : i32
    %dma_start3A_117 = tpu.memref_slice %arg4[%add3A_108, %dma_start3A_116] : memref<819200x128xf32, #tpu.memory_space<hbm>> -> memref<128x128xf32, #tpu.memory_space<hbm>>
    %dma_start3A_118 = arith.constant 0 : i32
    %dma_start3A_119 = arith.constant 0 : i32
    %dma_start3A_120 = tpu.memref_slice %arg6[%dma_start3A_109, %dma_start3A_118, %dma_start3A_119] : memref<5x128x128xf32, #tpu.memory_space<vmem>> -> memref<1x128x128xf32, #tpu.memory_space<vmem>>
    %dma_start3A_121 = tpu.memref_squeeze %dma_start3A_120 : memref<1x128x128xf32, #tpu.memory_space<vmem>> -> memref<128x128xf32, #tpu.memory_space<vmem>>
    tpu.enqueue_dma source(%dma_start3A_121 : memref<128x128xf32, #tpu.memory_space<vmem>>) target(%dma_start3A_117 : memref<128x128xf32, #tpu.memory_space<hbm>>) target_semaphore(%arg13 : memref<!tpu.dma_semaphore, #tpu.memory_space<semaphore_mem>>)
    %dma_wait3A_122 = arith.constant 0 : i32
    %dma_wait3A_123 = arith.constant 2 : i32
    %dma_wait3A_124 = arith.constant 0 : i32
    %dma_wait3A_125 = arith.constant 0 : i32
    %dma_wait3A_126 = tpu.memref_slice %arg6[%dma_wait3A_123, %dma_wait3A_124, %dma_wait3A_125] : memref<5x128x128xf32, #tpu.memory_space<vmem>> -> memref<1x128x128xf32, #tpu.memory_space<vmem>>
    %dma_wait3A_127 = tpu.memref_squeeze %dma_wait3A_126 : memref<1x128x128xf32, #tpu.memory_space<vmem>> -> memref<128x128xf32, #tpu.memory_space<vmem>>
    %dma_wait3A_128 = arith.constant 0 : i32
    %dma_wait3A_129 = tpu.memref_slice %arg5[%dma_wait3A_122, %dma_wait3A_128] : memref<200x128xi32, #tpu.memory_space<vmem>> -> memref<1x128xi32, #tpu.memory_space<vmem>>
    %dma_wait3A_130 = tpu.memref_squeeze %dma_wait3A_129 : memref<1x128xi32, #tpu.memory_space<vmem>> -> memref<128xi32, #tpu.memory_space<vmem>>
    %dma_wait3A_131 = arith.constant 0 : i32
    %dma_wait3A_132 = arith.constant 0 : i32
    %dma_wait3A_133 = tpu.memref_slice %arg3[%dma_wait3A_131, %dma_wait3A_132] : memref<1000000x128xf32, #tpu.memory_space<hbm>> -> memref<1000000x128xf32, #tpu.memory_space<hbm>>
    tpu.wait_indirect_dma semaphore(%arg9 : memref<!tpu.dma_semaphore, #tpu.memory_space<semaphore_mem>>) src(%dma_wait3A_133 : memref<1000000x128xf32, #tpu.memory_space<hbm>>) dst(%dma_wait3A_127 : memref<128x128xf32, #tpu.memory_space<vmem>>)
    %add3A_134 = arith.constant 25216 : i32
    %add3A_135 = arith.addi %mul3A_2, %add3A_134 : i32
    %dma_start3A_136 = arith.constant 2 : i32
    %dma_start3A_137 = arith.constant 0 : i32
    %dma_start3A_138 = arith.constant 0 : i32
    %dma_start3A_139 = tpu.memref_slice %arg6[%dma_start3A_136, %dma_start3A_137, %dma_start3A_138] : memref<5x128x128xf32, #tpu.memory_space<vmem>> -> memref<1x128x128xf32, #tpu.memory_space<vmem>>
    %dma_start3A_140 = tpu.memref_squeeze %dma_start3A_139 : memref<1x128x128xf32, #tpu.memory_space<vmem>> -> memref<128x128xf32, #tpu.memory_space<vmem>>
    %dma_start3A_141 = arith.constant 0 : i32
    %dma_start3A_142 = tpu.memref_slice %arg4[%add3A_135, %dma_start3A_141] : memref<819200x128xf32, #tpu.memory_space<hbm>> -> memref<128x128xf32, #tpu.memory_space<hbm>>
    %dma_start3A_143 = arith.constant 0 : i32
    %dma_start3A_144 = tpu.memref_slice %arg4[%add3A_135, %dma_start3A_143] : memref<819200x128xf32, #tpu.memory_space<hbm>> -> memref<128x128xf32, #tpu.memory_space<hbm>>
    %dma_start3A_145 = arith.constant 0 : i32
    %dma_start3A_146 = arith.constant 0 : i32
    %dma_start3A_147 = tpu.memref_slice %arg6[%dma_start3A_136, %dma_start3A_145, %dma_start3A_146] : memref<5x128x128xf32, #tpu.memory_space<vmem>> -> memref<1x128x128xf32, #tpu.memory_space<vmem>>
    %dma_start3A_148 = tpu.memref_squeeze %dma_start3A_147 : memref<1x128x128xf32, #tpu.memory_space<vmem>> -> memref<128x128xf32, #tpu.memory_space<vmem>>
    tpu.enqueue_dma source(%dma_start3A_148 : memref<128x128xf32, #tpu.memory_space<vmem>>) target(%dma_start3A_144 : memref<128x128xf32, #tpu.memory_space<hbm>>) target_semaphore(%arg14 : memref<!tpu.dma_semaphore, #tpu.memory_space<semaphore_mem>>)
    %dma_wait3A_149 = arith.constant 0 : i32
    %dma_wait3A_150 = arith.constant 3 : i32
    %dma_wait3A_151 = arith.constant 0 : i32
    %dma_wait3A_152 = arith.constant 0 : i32
    %dma_wait3A_153 = tpu.memref_slice %arg6[%dma_wait3A_150, %dma_wait3A_151, %dma_wait3A_152] : memref<5x128x128xf32, #tpu.memory_space<vmem>> -> memref<1x128x128xf32, #tpu.memory_space<vmem>>
    %dma_wait3A_154 = tpu.memref_squeeze %dma_wait3A_153 : memref<1x128x128xf32, #tpu.memory_space<vmem>> -> memref<128x128xf32, #tpu.memory_space<vmem>>
    %dma_wait3A_155 = arith.constant 0 : i32
    %dma_wait3A_156 = tpu.memref_slice %arg5[%dma_wait3A_149, %dma_wait3A_155] : memref<200x128xi32, #tpu.memory_space<vmem>> -> memref<1x128xi32, #tpu.memory_space<vmem>>
    %dma_wait3A_157 = tpu.memref_squeeze %dma_wait3A_156 : memref<1x128xi32, #tpu.memory_space<vmem>> -> memref<128xi32, #tpu.memory_space<vmem>>
    %dma_wait3A_158 = arith.constant 0 : i32
    %dma_wait3A_159 = arith.constant 0 : i32
    %dma_wait3A_160 = tpu.memref_slice %arg3[%dma_wait3A_158, %dma_wait3A_159] : memref<1000000x128xf32, #tpu.memory_space<hbm>> -> memref<1000000x128xf32, #tpu.memory_space<hbm>>
    tpu.wait_indirect_dma semaphore(%arg10 : memref<!tpu.dma_semaphore, #tpu.memory_space<semaphore_mem>>) src(%dma_wait3A_160 : memref<1000000x128xf32, #tpu.memory_space<hbm>>) dst(%dma_wait3A_154 : memref<128x128xf32, #tpu.memory_space<vmem>>)
    %add3A_161 = arith.constant 25344 : i32
    %add3A_162 = arith.addi %mul3A_2, %add3A_161 : i32
    %dma_start3A_163 = arith.constant 3 : i32
    %dma_start3A_164 = arith.constant 0 : i32
    %dma_start3A_165 = arith.constant 0 : i32
    %dma_start3A_166 = tpu.memref_slice %arg6[%dma_start3A_163, %dma_start3A_164, %dma_start3A_165] : memref<5x128x128xf32, #tpu.memory_space<vmem>> -> memref<1x128x128xf32, #tpu.memory_space<vmem>>
    %dma_start3A_167 = tpu.memref_squeeze %dma_start3A_166 : memref<1x128x128xf32, #tpu.memory_space<vmem>> -> memref<128x128xf32, #tpu.memory_space<vmem>>
    %dma_start3A_168 = arith.constant 0 : i32
    %dma_start3A_169 = tpu.memref_slice %arg4[%add3A_162, %dma_start3A_168] : memref<819200x128xf32, #tpu.memory_space<hbm>> -> memref<128x128xf32, #tpu.memory_space<hbm>>
    %dma_start3A_170 = arith.constant 0 : i32
    %dma_start3A_171 = tpu.memref_slice %arg4[%add3A_162, %dma_start3A_170] : memref<819200x128xf32, #tpu.memory_space<hbm>> -> memref<128x128xf32, #tpu.memory_space<hbm>>
    %dma_start3A_172 = arith.constant 0 : i32
    %dma_start3A_173 = arith.constant 0 : i32
    %dma_start3A_174 = tpu.memref_slice %arg6[%dma_start3A_163, %dma_start3A_172, %dma_start3A_173] : memref<5x128x128xf32, #tpu.memory_space<vmem>> -> memref<1x128x128xf32, #tpu.memory_space<vmem>>
    %dma_start3A_175 = tpu.memref_squeeze %dma_start3A_174 : memref<1x128x128xf32, #tpu.memory_space<vmem>> -> memref<128x128xf32, #tpu.memory_space<vmem>>
    tpu.enqueue_dma source(%dma_start3A_175 : memref<128x128xf32, #tpu.memory_space<vmem>>) target(%dma_start3A_171 : memref<128x128xf32, #tpu.memory_space<hbm>>) target_semaphore(%arg15 : memref<!tpu.dma_semaphore, #tpu.memory_space<semaphore_mem>>)
    %dma_wait3A_176 = arith.constant 0 : i32
    %dma_wait3A_177 = arith.constant 4 : i32
    %dma_wait3A_178 = arith.constant 0 : i32
    %dma_wait3A_179 = arith.constant 0 : i32
    %dma_wait3A_180 = tpu.memref_slice %arg6[%dma_wait3A_177, %dma_wait3A_178, %dma_wait3A_179] : memref<5x128x128xf32, #tpu.memory_space<vmem>> -> memref<1x128x128xf32, #tpu.memory_space<vmem>>
    %dma_wait3A_181 = tpu.memref_squeeze %dma_wait3A_180 : memref<1x128x128xf32, #tpu.memory_space<vmem>> -> memref<128x128xf32, #tpu.memory_space<vmem>>
    %dma_wait3A_182 = arith.constant 0 : i32
    %dma_wait3A_183 = tpu.memref_slice %arg5[%dma_wait3A_176, %dma_wait3A_182] : memref<200x128xi32, #tpu.memory_space<vmem>> -> memref<1x128xi32, #tpu.memory_space<vmem>>
    %dma_wait3A_184 = tpu.memref_squeeze %dma_wait3A_183 : memref<1x128xi32, #tpu.memory_space<vmem>> -> memref<128xi32, #tpu.memory_space<vmem>>
    %dma_wait3A_185 = arith.constant 0 : i32
    %dma_wait3A_186 = arith.constant 0 : i32
    %dma_wait3A_187 = tpu.memref_slice %arg3[%dma_wait3A_185, %dma_wait3A_186] : memref<1000000x128xf32, #tpu.memory_space<hbm>> -> memref<1000000x128xf32, #tpu.memory_space<hbm>>
    tpu.wait_indirect_dma semaphore(%arg11 : memref<!tpu.dma_semaphore, #tpu.memory_space<semaphore_mem>>) src(%dma_wait3A_187 : memref<1000000x128xf32, #tpu.memory_space<hbm>>) dst(%dma_wait3A_181 : memref<128x128xf32, #tpu.memory_space<vmem>>)
    %add3A_188 = arith.constant 25472 : i32
    %add3A_189 = arith.addi %mul3A_2, %add3A_188 : i32
    %dma_start3A_190 = arith.constant 4 : i32
    %dma_start3A_191 = arith.constant 0 : i32
    %dma_start3A_192 = arith.constant 0 : i32
    %dma_start3A_193 = tpu.memref_slice %arg6[%dma_start3A_190, %dma_start3A_191, %dma_start3A_192] : memref<5x128x128xf32, #tpu.memory_space<vmem>> -> memref<1x128x128xf32, #tpu.memory_space<vmem>>
    %dma_start3A_194 = tpu.memref_squeeze %dma_start3A_193 : memref<1x128x128xf32, #tpu.memory_space<vmem>> -> memref<128x128xf32, #tpu.memory_space<vmem>>
    %dma_start3A_195 = arith.constant 0 : i32
    %dma_start3A_196 = tpu.memref_slice %arg4[%add3A_189, %dma_start3A_195] : memref<819200x128xf32, #tpu.memory_space<hbm>> -> memref<128x128xf32, #tpu.memory_space<hbm>>
    %dma_start3A_197 = arith.constant 0 : i32
    %dma_start3A_198 = tpu.memref_slice %arg4[%add3A_189, %dma_start3A_197] : memref<819200x128xf32, #tpu.memory_space<hbm>> -> memref<128x128xf32, #tpu.memory_space<hbm>>
    %dma_start3A_199 = arith.constant 0 : i32
    %dma_start3A_200 = arith.constant 0 : i32
    %dma_start3A_201 = tpu.memref_slice %arg6[%dma_start3A_190, %dma_start3A_199, %dma_start3A_200] : memref<5x128x128xf32, #tpu.memory_space<vmem>> -> memref<1x128x128xf32, #tpu.memory_space<vmem>>
    %dma_start3A_202 = tpu.memref_squeeze %dma_start3A_201 : memref<1x128x128xf32, #tpu.memory_space<vmem>> -> memref<128x128xf32, #tpu.memory_space<vmem>>
    tpu.enqueue_dma source(%dma_start3A_202 : memref<128x128xf32, #tpu.memory_space<vmem>>) target(%dma_start3A_198 : memref<128x128xf32, #tpu.memory_space<hbm>>) target_semaphore(%arg16 : memref<!tpu.dma_semaphore, #tpu.memory_space<semaphore_mem>>)
    %dma_wait3A_203 = arith.constant 0 : i32
    %dma_wait3A_204 = arith.constant 0 : i32
    %dma_wait3A_205 = arith.constant 0 : i32
    %dma_wait3A_206 = tpu.memref_slice %arg6[%dma_wait3A_203, %dma_wait3A_204, %dma_wait3A_205] : memref<5x128x128xf32, #tpu.memory_space<vmem>> -> memref<1x128x128xf32, #tpu.memory_space<vmem>>
    %dma_wait3A_207 = tpu.memref_squeeze %dma_wait3A_206 : memref<1x128x128xf32, #tpu.memory_space<vmem>> -> memref<128x128xf32, #tpu.memory_space<vmem>>
    %dma_wait3A_208 = arith.constant 0 : i32
    %dma_wait3A_209 = tpu.memref_slice %arg4[%mul3A_2, %dma_wait3A_208] : memref<819200x128xf32, #tpu.memory_space<hbm>> -> memref<128x128xf32, #tpu.memory_space<hbm>>
    %dma_wait3A_210 = arith.constant 0 : i32
    %dma_wait3A_211 = tpu.memref_slice %arg4[%mul3A_2, %dma_wait3A_210] : memref<819200x128xf32, #tpu.memory_space<hbm>> -> memref<128x128xf32, #tpu.memory_space<hbm>>
    %dma_wait3A_212 = arith.constant 0 : i32
    %dma_wait3A_213 = arith.constant 0 : i32
    %dma_wait3A_214 = tpu.memref_slice %arg6[%dma_wait3A_203, %dma_wait3A_212, %dma_wait3A_213] : memref<5x128x128xf32, #tpu.memory_space<vmem>> -> memref<1x128x128xf32, #tpu.memory_space<vmem>>
    %dma_wait3A_215 = tpu.memref_squeeze %dma_wait3A_214 : memref<1x128x128xf32, #tpu.memory_space<vmem>> -> memref<128x128xf32, #tpu.memory_space<vmem>>
    tpu.wait_dma2 semaphore(%arg12 : memref<!tpu.dma_semaphore, #tpu.memory_space<semaphore_mem>>) src(%dma_wait3A_215 : memref<128x128xf32, #tpu.memory_space<vmem>>) dst(%dma_wait3A_211 : memref<128x128xf32, #tpu.memory_space<hbm>>)
    %dma_wait3A_216 = arith.constant 1 : i32
    %dma_wait3A_217 = arith.constant 0 : i32
    %dma_wait3A_218 = arith.constant 0 : i32
    %dma_wait3A_219 = tpu.memref_slice %arg6[%dma_wait3A_216, %dma_wait3A_217, %dma_wait3A_218] : memref<5x128x128xf32, #tpu.memory_space<vmem>> -> memref<1x128x128xf32, #tpu.memory_space<vmem>>
    %dma_wait3A_220 = tpu.memref_squeeze %dma_wait3A_219 : memref<1x128x128xf32, #tpu.memory_space<vmem>> -> memref<128x128xf32, #tpu.memory_space<vmem>>
    %dma_wait3A_221 = arith.constant 0 : i32
    %dma_wait3A_222 = tpu.memref_slice %arg4[%mul3A_2, %dma_wait3A_221] : memref<819200x128xf32, #tpu.memory_space<hbm>> -> memref<128x128xf32, #tpu.memory_space<hbm>>
    %dma_wait3A_223 = arith.constant 0 : i32
    %dma_wait3A_224 = tpu.memref_slice %arg4[%mul3A_2, %dma_wait3A_223] : memref<819200x128xf32, #tpu.memory_space<hbm>> -> memref<128x128xf32, #tpu.memory_space<hbm>>
    %dma_wait3A_225 = arith.constant 0 : i32
    %dma_wait3A_226 = arith.constant 0 : i32
    %dma_wait3A_227 = tpu.memref_slice %arg6[%dma_wait3A_216, %dma_wait3A_225, %dma_wait3A_226] : memref<5x128x128xf32, #tpu.memory_space<vmem>> -> memref<1x128x128xf32, #tpu.memory_space<vmem>>
    %dma_wait3A_228 = tpu.memref_squeeze %dma_wait3A_227 : memref<1x128x128xf32, #tpu.memory_space<vmem>> -> memref<128x128xf32, #tpu.memory_space<vmem>>
    tpu.wait_dma2 semaphore(%arg13 : memref<!tpu.dma_semaphore, #tpu.memory_space<semaphore_mem>>) src(%dma_wait3A_228 : memref<128x128xf32, #tpu.memory_space<vmem>>) dst(%dma_wait3A_224 : memref<128x128xf32, #tpu.memory_space<hbm>>)
    %dma_wait3A_229 = arith.constant 2 : i32
    %dma_wait3A_230 = arith.constant 0 : i32
    %dma_wait3A_231 = arith.constant 0 : i32
    %dma_wait3A_232 = tpu.memref_slice %arg6[%dma_wait3A_229, %dma_wait3A_230, %dma_wait3A_231] : memref<5x128x128xf32, #tpu.memory_space<vmem>> -> memref<1x128x128xf32, #tpu.memory_space<vmem>>
    %dma_wait3A_233 = tpu.memref_squeeze %dma_wait3A_232 : memref<1x128x128xf32, #tpu.memory_space<vmem>> -> memref<128x128xf32, #tpu.memory_space<vmem>>
    %dma_wait3A_234 = arith.constant 0 : i32
    %dma_wait3A_235 = tpu.memref_slice %arg4[%mul3A_2, %dma_wait3A_234] : memref<819200x128xf32, #tpu.memory_space<hbm>> -> memref<128x128xf32, #tpu.memory_space<hbm>>
    %dma_wait3A_236 = arith.constant 0 : i32
    %dma_wait3A_237 = tpu.memref_slice %arg4[%mul3A_2, %dma_wait3A_236] : memref<819200x128xf32, #tpu.memory_space<hbm>> -> memref<128x128xf32, #tpu.memory_space<hbm>>
    %dma_wait3A_238 = arith.constant 0 : i32
    %dma_wait3A_239 = arith.constant 0 : i32
    %dma_wait3A_240 = tpu.memref_slice %arg6[%dma_wait3A_229, %dma_wait3A_238, %dma_wait3A_239] : memref<5x128x128xf32, #tpu.memory_space<vmem>> -> memref<1x128x128xf32, #tpu.memory_space<vmem>>
    %dma_wait3A_241 = tpu.memref_squeeze %dma_wait3A_240 : memref<1x128x128xf32, #tpu.memory_space<vmem>> -> memref<128x128xf32, #tpu.memory_space<vmem>>
    tpu.wait_dma2 semaphore(%arg14 : memref<!tpu.dma_semaphore, #tpu.memory_space<semaphore_mem>>) src(%dma_wait3A_241 : memref<128x128xf32, #tpu.memory_space<vmem>>) dst(%dma_wait3A_237 : memref<128x128xf32, #tpu.memory_space<hbm>>)
    %dma_wait3A_242 = arith.constant 3 : i32
    %dma_wait3A_243 = arith.constant 0 : i32
    %dma_wait3A_244 = arith.constant 0 : i32
    %dma_wait3A_245 = tpu.memref_slice %arg6[%dma_wait3A_242, %dma_wait3A_243, %dma_wait3A_244] : memref<5x128x128xf32, #tpu.memory_space<vmem>> -> memref<1x128x128xf32, #tpu.memory_space<vmem>>
    %dma_wait3A_246 = tpu.memref_squeeze %dma_wait3A_245 : memref<1x128x128xf32, #tpu.memory_space<vmem>> -> memref<128x128xf32, #tpu.memory_space<vmem>>
    %dma_wait3A_247 = arith.constant 0 : i32
    %dma_wait3A_248 = tpu.memref_slice %arg4[%mul3A_2, %dma_wait3A_247] : memref<819200x128xf32, #tpu.memory_space<hbm>> -> memref<128x128xf32, #tpu.memory_space<hbm>>
    %dma_wait3A_249 = arith.constant 0 : i32
    %dma_wait3A_250 = tpu.memref_slice %arg4[%mul3A_2, %dma_wait3A_249] : memref<819200x128xf32, #tpu.memory_space<hbm>> -> memref<128x128xf32, #tpu.memory_space<hbm>>
    %dma_wait3A_251 = arith.constant 0 : i32
    %dma_wait3A_252 = arith.constant 0 : i32
    %dma_wait3A_253 = tpu.memref_slice %arg6[%dma_wait3A_242, %dma_wait3A_251, %dma_wait3A_252] : memref<5x128x128xf32, #tpu.memory_space<vmem>> -> memref<1x128x128xf32, #tpu.memory_space<vmem>>
    %dma_wait3A_254 = tpu.memref_squeeze %dma_wait3A_253 : memref<1x128x128xf32, #tpu.memory_space<vmem>> -> memref<128x128xf32, #tpu.memory_space<vmem>>
    tpu.wait_dma2 semaphore(%arg15 : memref<!tpu.dma_semaphore, #tpu.memory_space<semaphore_mem>>) src(%dma_wait3A_254 : memref<128x128xf32, #tpu.memory_space<vmem>>) dst(%dma_wait3A_250 : memref<128x128xf32, #tpu.memory_space<hbm>>)
    %dma_wait3A_255 = arith.constant 4 : i32
    %dma_wait3A_256 = arith.constant 0 : i32
    %dma_wait3A_257 = arith.constant 0 : i32
    %dma_wait3A_258 = tpu.memref_slice %arg6[%dma_wait3A_255, %dma_wait3A_256, %dma_wait3A_257] : memref<5x128x128xf32, #tpu.memory_space<vmem>> -> memref<1x128x128xf32, #tpu.memory_space<vmem>>
    %dma_wait3A_259 = tpu.memref_squeeze %dma_wait3A_258 : memref<1x128x128xf32, #tpu.memory_space<vmem>> -> memref<128x128xf32, #tpu.memory_space<vmem>>
    %dma_wait3A_260 = arith.constant 0 : i32
    %dma_wait3A_261 = tpu.memref_slice %arg4[%mul3A_2, %dma_wait3A_260] : memref<819200x128xf32, #tpu.memory_space<hbm>> -> memref<128x128xf32, #tpu.memory_space<hbm>>
    %dma_wait3A_262 = arith.constant 0 : i32
    %dma_wait3A_263 = tpu.memref_slice %arg4[%mul3A_2, %dma_wait3A_262] : memref<819200x128xf32, #tpu.memory_space<hbm>> -> memref<128x128xf32, #tpu.memory_space<hbm>>
    %dma_wait3A_264 = arith.constant 0 : i32
    %dma_wait3A_265 = arith.constant 0 : i32
    %dma_wait3A_266 = tpu.memref_slice %arg6[%dma_wait3A_255, %dma_wait3A_264, %dma_wait3A_265] : memref<5x128x128xf32, #tpu.memory_space<vmem>> -> memref<1x128x128xf32, #tpu.memory_space<vmem>>
    %dma_wait3A_267 = tpu.memref_squeeze %dma_wait3A_266 : memref<1x128x128xf32, #tpu.memory_space<vmem>> -> memref<128x128xf32, #tpu.memory_space<vmem>>
    tpu.wait_dma2 semaphore(%arg16 : memref<!tpu.dma_semaphore, #tpu.memory_space<semaphore_mem>>) src(%dma_wait3A_267 : memref<128x128xf32, #tpu.memory_space<vmem>>) dst(%dma_wait3A_263 : memref<128x128xf32, #tpu.memory_space<hbm>>)
    return
  }
}

</mosaic_0001>

<sc_bundles>
// kernel: kernel.3.cloned.1.call-start
scs
__scs_entry_jumppad:
0x0: {  	(pc) =	sbr.rel $0x88, $3  }
0x1: {  	(tag) =	ssettag $0x0;
	lr =	simm.s32 $0x1  }
0x2: {  	[smem:$0x3F9F] =	sst lr;
	_ =	strace $0xD0000000  }
0x3: {  	_ = 	snop  }
0x4: {  	_ = 	snop  }
0x5: {  	_ = 	snop  }
0x6: {  	_ = 	snop  }
0x7: {  	_ = 	snop  }
__scs_overlays_trampoline_lowered:
0x8: {  	[smem:$0x3FAE] =	sst s0  }
0x9: {  	[smem:$0x3FAF] =	sst s1  }
0xa: {  	[smem:$0x3FB0] =	sst s2  }
0xb: {  	[smem:$0x3FB1] =	sst s3  }
0xc: {  	[smem:$0x3FB2] =	sst s4  }
0xd: {  	[smem:$0x3FB3] =	sst s5  }
0xe: {  	[smem:$0x3FB4] =	sst s6  }
0xf: {  	[smem:$0x3FB5] =	sst s7  }
0x10: {  	[smem:$0x3FB6] =	sst s8  }
0x11: {  	[smem:$0x3FB7] =	sst s9;
	s0 =	simm.s32 @!p0 $0x0  }
0x12: {  	s1 =	sld [smem:$0x3F9D];
	s0 =	simm.s32 @p0 $0x1  }
0x13: {  	[smem:$0x3FB8] =	sst s0;
	s0 =	simm.s32 @!p1 $0x0  }
0x14: {  	s2 =	sld [smem:$0x3F9C];
	s0 =	simm.s32 @p1 $0x1  }
0x15: {  	[smem:$0x3FB9] =	sst s0;
	s0 =	simm.s32 @!p2 $0x0  }
0x16: {  	s3 =	sld [smem:$0x3FDB];
	s0 =	simm.s32 @p2 $0x1  }
0x17: {  	s4 =	simm.s32 $0x1BF5;
	[smem:$0x3FBB] =	sst s0  }
0x18: {  	s0 =	sld [smem:$0x3F9E];
	_ =	swait.ge [sflag:s4], $0x0  }
0x19: {  	s7 =	sld [smem:$0x3F9F]  }
0x1a: {  	s8 =	sadd.s32 $0xFFFFE003, lr  }
0x1b: {  	s9 =	sadd.s32 $0xFFFFFEF7, lr;
	s5 =	simm.s32 $0xFFFFFFFF;
	p2 =	slt.u32 s8, $0xFFFFF086  }
0x1c: {  	p1 =	slt.u32 s9, $0xF7A;
	s5 =	simm.s32 @!p2 $0x0  }
0x1d: {  	s5 =	simm.s32 @p1 $0x1;
	p0 =	seq.s32 s7, s2  }
0x1e: {  	s7 =	smul.u32 @!p0 $0xF7A, s2;
	p2 =	seq.s32 @!p0 s5, $0x0  }
0x1f: {  	s9 =	smul.u32 $0xF7A, s1;
	s8 =	simm.s32 @!p0 $0x1BF5;
	p2 =	por !p2, p0  }
0x20: {  	[sflag:s8] =	ssyncset.s32 @!p0 $0xFFFFF086;
	s6 =	sadd.s32 @!p0 s3, s7;
	s7 =	simm.s32 @!p0 $0x108  }
0x21: {  	s3 =	sadd.s32 s3, s9;
	s6 =	sadd.s32 @!p0 $0x88, s6;
	s7 =	simm.s32 @p2 $0x1082  }
0x22: {  	[simem:s7], [sflag:s8] =	dma.local @!p0 [hbm:s6], $0xF7A  }
0x23: {  	s9 =	sor.u32 $0xD0000000, s2;
	s6 =	simm.s32 $0x108;
	_ =	swait.ge @!p0 [sflag:s8], $0x0  }
0x24: {  	s3 =	sadd.s32 $0x88, s3;
	s6 =	simm.s32 @!p1 $0x1082;
	[sflag:s4] =	ssyncset.s32 $0xFFFFF086  }
0x25: {  	[simem:s6], [sflag:s4] =	dma.local [hbm:s3], $0xF7A  }
0x26: {  	[smem:$0x3F9F] =	sst s1;
	(tag) =	ssettag s2;
	_ =	strace s9  }
0x27: {  	s1 =	sld [smem:$0x3FAF]  }
0x28: {  	s2 =	sld [smem:$0x3FB0]  }
0x29: {  	s4 =	sld [smem:$0x3FB2]  }
0x2a: {  	p0 =	seq.s32 s5, $0x0;
	s5 =	sld [smem:$0x3FB3]  }
0x2b: {  	s6 =	sld [smem:$0x3FB4]  }
0x2c: {  	s7 =	sld [smem:$0x3FB5]  }
0x2d: {  	s3 =	simm.s32 $0x108;
	s8 =	sld [smem:$0x3FB6]  }
0x2e: {  	s3 =	simm.s32 @!p0 $0x1082;
	s9 =	sld [smem:$0x3FB7]  }
0x2f: {  	lr =	sadd.s32 s0, s3;
	s0 =	sld [smem:$0x3FAE]  }
0x30: {  	s3 =	sld [smem:$0x3FB1]  }
0x31: {  	[smem:$0x3FBA] =	sst s10  }
0x32: {  	s10 =	sld [smem:$0x3FB8];
	_ =	sdelay $0x3  }
0x33: {  	p0 =	seq.s32 s10, $0x1;
	s10 =	sld [smem:$0x3FBA];
	_ =	sdelay $0x3  }
0x34: {  	[smem:$0x3FBA] =	sst s10  }
0x35: {  	s10 =	sld [smem:$0x3FB9];
	_ =	sdelay $0x3  }
0x36: {  	p1 =	seq.s32 s10, $0x1;
	s10 =	sld [smem:$0x3FBA];
	_ =	sdelay $0x3  }
0x37: {  	[smem:$0x3FBA] =	sst s10  }
0x38: {  	s10 =	sld [smem:$0x3FBB]  }
0x39: {  	_ = 	snop;
	(pc) =	sbr.ind lr, $3  }
0x3a: {  	_ = 	snop  }
0x3b: {  	_ = 	snop  }
0x3c: {  	p2 =	seq.s32 s10, $0x1;
	s10 =	sld [smem:$0x3FBA]  }
0x3d: {  	_ =	shalt  }
0x3e: {  	_ =	shalt  }
0x3f: {  	_ =	shalt  }
0x40: {  	_ =	shalt  }
0x41: {  	_ =	shalt  }
0x42: {  	_ =	shalt  }
0x43: {  	_ =	shalt  }
0x44: {  	_ =	shalt  }
0x45: {  	_ =	shalt  }
0x46: {  	_ =	shalt  }
0x47: {  	_ =	shalt  }
0x48: {  	_ =	shalt  }
0x49: {  	_ =	shalt  }
0x4a: {  	_ =	shalt  }
0x4b: {  	_ =	shalt  }
0x4c: {  	_ =	shalt  }
0x4d: {  	_ =	shalt  }
0x4e: {  	_ =	shalt  }
0x4f: {  	_ =	shalt  }
0x50: {  	_ =	shalt  }
0x51: {  	_ =	shalt  }
0x52: {  	_ =	shalt  }
0x53: {  	_ =	shalt  }
0x54: {  	_ =	shalt  }
0x55: {  	_ =	shalt  }
0x56: {  	_ =	shalt  }
0x57: {  	_ =	shalt  }
0x58: {  	_ =	shalt  }
0x59: {  	_ =	shalt  }
0x5a: {  	_ =	shalt  }
0x5b: {  	_ =	shalt  }
0x5c: {  	_ =	shalt  }
0x5d: {  	_ =	shalt  }
0x5e: {  	_ =	shalt  }
0x5f: {  	_ =	shalt  }
0x60: {  	_ =	shalt  }
0x61: {  	_ =	shalt  }
0x62: {  	_ =	shalt  }
0x63: {  	_ =	shalt  }
0x64: {  	_ =	shalt  }
0x65: {  	_ =	shalt  }
0x66: {  	_ =	shalt  }
0x67: {  	_ =	shalt  }
0x68: {  	_ =	shalt  }
0x69: {  	_ =	shalt  }
0x6a: {  	_ =	shalt  }
0x6b: {  	_ =	shalt  }
0x6c: {  	_ =	shalt  }
0x6d: {  	_ =	shalt  }
0x6e: {  	_ =	shalt  }
0x6f: {  	_ =	shalt  }
0x70: {  	_ =	shalt  }
0x71: {  	_ =	shalt  }
0x72: {  	_ =	shalt  }
0x73: {  	_ =	shalt  }
0x74: {  	_ =	shalt  }
0x75: {  	_ =	shalt  }
0x76: {  	_ =	shalt  }
0x77: {  	_ =	shalt  }
0x78: {  	_ =	shalt  }
0x79: {  	_ =	shalt  }
0x7a: {  	_ =	shalt  }
0x7b: {  	_ =	shalt  }
0x7c: {  	_ =	shalt  }
0x7d: {  	_ =	shalt  }
0x7e: {  	_ =	shalt  }
0x7f: {  	_ =	shalt  }
0x80: {  	_ =	shalt  }
0x81: {  	_ =	shalt  }
0x82: {  	_ =	shalt  }
0x83: {  	_ =	shalt  }
0x84: {  	_ =	shalt  }
0x85: {  	_ =	shalt  }
0x86: {  	_ =	shalt  }
0x87: {  	_ =	shalt  }
.Lfunc_end0:
.L_simem_size_0:
called_computation_lowered:
.L_overlay_start_0:
0x88: {  	s2 =	sld [smem:$0x3FD9]  }
0x89: {  	s3 =	sld [smem:$0x3FFE];
	_ =	sdelay $0x1  }
0x8a: {  	s1 =	srdreg.scid  }
0x8b: {  	s0 =	sand.u32 $0x1, s1  }
0x8c: {  	s17 =	sshll.u32 s0, $0xA;
	s2 =	sadd.s32 s3, s2  }
0x8d: {  	s2 =	sadd.s32 s2, s17  }
0x8e: {  	[smem:$0x3FC6] =	sst s2  }
0x8f: {  	_ = 	snop  }
0x90: {  	s2 =	sld [smem:$0x3FC8]  }
0x91: {  	s18 =	sld [smem:$0x3FD0];
	(tm) =	ssettm $0x1  }
0x92: {  	s4 =	sld [smem:$0x3FFB];
	_ =	sdelay $0x3  }
0x93: {  	_ =	strace s4  }
0x94: {  	s4 =	sld [smem:$0x3FFC];
	_ =	sdelay $0x3  }
0x95: {  	_ =	strace s4  }
0x96: {  	s4 =	sld [smem:$0x3FFD];
	_ =	sdelay $0x3  }
0x97: {  	_ =	strace s4  }
0x98: {  	_ =	strace $0x8FFFFFFF  }
0x99: {  	s19 =	sld [smem:$0x3FDB];
	_ =	sdelay $0x1  }
0x9a: {  	s5 =	simm.s32 $_scs_section_size  }
0x9b: {  	s6 =	simm.s32 $_size__tile_overlayer_lowered;
	s7 =	simm.s32 $_tile_overlayer_lowered  }
0x9c: {  	s22 =	simm.s32 $0x1BFF;
	s21 =	sshll.u32 s7, $0x1;
	s4 =	sadd.s32 s5, s19  }
0x9d: {  	s8 =	simm.s32 $0x0;
	s20 =	sshll.u32 s6, $0x1;
	s6 =	sadd.s32 s21, s4  }
0x9e: {  	[timem:s8], [sflag:s22] =	dma.local [hbm:s6], s20  }
0x9f: {  	_ =	swait.ge [sflag:s22], s20  }
0xa0: {  	s5 =	ssub.s32 $0x0, s20;
	[sflag:s22] =	ssyncset.done $0x0  }
0xa1: {  	[sflag:s22] =	ssyncadd.s32 s5;
	_ =	sdelay $0x1  }
0xa2: {  	s23 =	simm.s32 $0x1B8B  }
0xa3: {  	_ =	swait.ge [sflag:s23], $0x1  }
0xa4: {  	[sflag:s23] =	ssyncset.done $0x0  }
0xa5: {  	s25 =	simm.s32 $0x1B8E;
	s24 =	sld [smem:$0x3FFE];
	[sflag:s23] =	ssyncadd.s32 $0xFFFFFFFF  }
0xa6: {  	s26 =	simm.s32 $execute0_lowered;
	[smem:$0x3FD2] =	sst s25  }
0xa7: {  	s6 =	sshll.u32 s26, $0x1;
	_ =	strace $0x80000046;
	[dreg:$0x1] =	wrdreg $0xFFFFFFFF  }
0xa8: {  	s28 =	simm.s32 $_size_execute0_lowered;
	s4 =	sadd.s32 s4, s6;
	[dreg:$0x0] =	wrdreg $0x0  }
0xa9: {  	s6 =	sshll.u32 s28, $0x1;
	[dreg:$0x2] =	wrdreg s4  }
0xaa: {  	[dreg:$0x3] =	wrdreg s6  }
0xab: {  	[dreg:$0x4] =	wrdreg $0xC0  }
0xac: {  	_ =	task [dreg:s8], $0x5FFFF  }
0xad: {  	[dreg:$0x1] =	wrdreg $0xFFFFFFFF  }
0xae: {  	[dreg:$0x0] =	wrdreg $0x60  }
0xaf: {  	[dreg:$0x2] =	wrdreg s24  }
0xb0: {  	[dreg:$0x3] =	wrdreg s2  }
0xb1: {  	[dreg:$0x4] =	wrdreg s18  }
0xb2: {  	[dreg:$0x5] =	wrdreg $0x9  }
0xb3: {  	_ =	task.clear_ibuf [dreg:s8], $0x6FFFF;
	_ =	strace $0x90000046  }
0xb4: {  	s29 =	simm.s32 $0x9;
	_ =	strace $0x80000048  }
0xb5: {  	_ =	swait.ge [sflag:s29], $0x1  }
0xb6: {  	[sflag:s29] =	ssyncadd.s32 $0xFFFFFFFF  }
0xb7: {  	_ =	strace $0x90000048  }
0xb8: {  	_ =	sfence  }
0xb9: {  	s30 =	sld [smem:$0x0];
	_ =	sdelay $0x2  }
0xba: {  	s31 =	sshll.u32 s1, $0xD;
	s1 =	sshrl.u32 s1, $0x2  }
0xbb: {  	s3 =	sand.u32 $0x4000, s31;
	s1 =	sadd.s32 s1, s30  }
0xbc: {  	s0 =	sor.u32 s3, s0;
	s1 =	sshll.u32 s1, $0x11  }
0xbd: {  	s0 =	sor.u32 s1, s0  }
0xbe: {  	s0 =	sadd.s32 $0x8F2B, s0  }
0xbf: {  	[sflag:s0] =	ssyncadd.remote.s32 $0x1  }
0xc0: {  	_ =	sfence.sel $0xFFFF  }
0xc1: {  	[dreg:$0x0] =	wrdreg $0xFFFFFFFF;
	(pc) =	sbr.abs _section_cstart, $3  }
0xc2: {  	[dreg:$0x1] =	wrdreg $0xFFFFFFFF  }
0xc3: {  	_ =	task.clear_ibuf [dreg:s8], $0x2FFFF;
	_ =	strace $0x9FFFFFFF  }
0xc4: {  	(tm) =	ssettm $0x7FFFFFFF  }
0xc5: {  	_ =	shalt  }
tec
execute0_lowered:
.L_overlay_start_1:
0x0: {  	(tag) =	ssettag $0x1  }
0x1: {  	s0 =	rddreg [dreg:$0x0]  }
0x2: {  	s1 =	srdreg.scid;
	s2 =	rddreg [dreg:$0x1]  }
0x3: {  	s8 =	stileid.u32;
	s7 =	rddreg [dreg:$0x2]  }
0x4: {  	s12 =	simm.s32 $0xB;
	s13 =	simm.s32 $0x80;
	s14 =	simm.s32 $0x6400  }
0x5: {  	s15 =	simm.s32 $0xA400;
	s17 =	simm.s32 $0xE400;
	s19 =	simm.s32 $0x12400  }
0x6: {  	s21 =	simm.s32 $0x16400;
	s22 =	simm.s32 $0x1;
	s23 =	simm.s32 $0x6  }
0x7: {  	s28 =	simm.s32 $0x8;
	s29 =	simm.s32 $0x4;
	s30 =	simm.s32 $0x9  }
0x8: {  	s1 =	sand.u32 $0x1, s1;
	s3 =	sshll.u32 s8, $0x1;
	s8 =	smul.u32 $0xC8000, s8  }
0x9: {  	s4 =	sor.u32 s1, s3;
	s6 =	ssub.s32 $0x2, s1;
	s1 =	smul.u32 $0x64000, s1  }
0xa: {  	s31 =	simm.s32 $0x5;
	s3 =	simm.s32 $0x0;
	s5 =	smul.u32 $0xC80, s4  }
0xb: {  	[smem:$0x7FF] =	sst s3;
	s4 =	smul.u32 $0x320000, s4;
	s24 =	sshrl.u32 s6, $0x1  }
0xc: {  	s9 =	sadd.s32 s8, s7;
	_ =	strace $0x80000047;
	s10 =	ssub.s32 s6, s24  }
0xd: {  	s1 =	sadd.s32 s1, s9;
	s24 =	simm.s32 $0x2;
	s0 =	sadd.s32 s5, s0  }
0xe: {  	s25 =	sshrl.u32 s4, $0x3;
	s10 =	smax.u32 s10, $0x1;
	s11 =	sadd.s32 $0x2000, s1  }
0xf: {  	s1 =	simm.s32 $0xA;
	s0 =	sadd.s32 $0x400, s0;
	s26 =	sadd.s32 s7, s25  }
0x10: {  	s25 =	simm.s32 $0x7;
	[dreg:$0x4] =	wrdreg s0;
	s5 =	sadd.s32 $0x61800, s26  }
0x11: {  	s6 =	sadd.s32 $0x62000, s26;
	s7 =	sadd.s32 $0x62800, s26;
	s8 =	sadd.s32 $0x63000, s26  }
0x12: {  	s9 =	sadd.s32 $0x63800, s26;
	s26 =	simm.s32 $0x3;
	s0 =	simm.s32 $0x0  }
.LBB2_1:
0x13: {  	s4 =	rddreg [dreg:$0x4]  }
0x14: {  	[tilespmem:s3], [sflag:$0xB] =	stream.linear.gather [hbm4b:s4+s3], $0x6400, $0x38;
	[tilespmem:$0x1A400] =	vst v63  }
0x15: {  	_ =	swait.ge [sflag:s12], $0x6400  }
0x16: {  	[sflag:s12] =	ssyncset.done $0x0  }
0x17: {  	[sflag:s12] =	ssyncadd.s32 $0xFFFF9C00  }
0x18: {  	[tilespmem:s14], [sflag:$0x1] =	stream.indirect.gather [hbm4b:s2+s13], $0x80, s3, s13, $0xb8;
	[tilespmem:$0x1A400] =	vst v63  }
0x19: {  	_ = 	snop  }
0x1a: {  	[tilespmem:s15], [sflag:$0x2] =	stream.indirect.gather [hbm4b:s2+s13], $0x80, s13, s13, $0xb8;
	[tilespmem:$0x1A400] =	vst v63  }
0x1b: {  	s20 =	simm.s32 $0x100  }
0x1c: {  	[tilespmem:s17], [sflag:$0x3] =	stream.indirect.gather [hbm4b:s2+s13], $0x80, s20, s13, $0xb8;
	[tilespmem:$0x1A400] =	vst v63  }
0x1d: {  	s16 =	simm.s32 $0x180  }
0x1e: {  	[tilespmem:s19], [sflag:$0x4] =	stream.indirect.gather [hbm4b:s2+s13], $0x80, s16, s13, $0xb8;
	[tilespmem:$0x1A400] =	vst v63  }
0x1f: {  	s18 =	simm.s32 $0x200  }
0x20: {  	[tilespmem:s21], [sflag:$0x5] =	stream.indirect.gather [hbm4b:s2+s13], $0x80, s18, s13, $0xb8;
	[tilespmem:$0x1A400] =	vst v63  }
0x21: {  	_ =	swait.ge [sflag:s22], $0x4000  }
0x22: {  	[sflag:s22] =	ssyncset.done $0x0  }
0x23: {  	s16 =	sadd.s32 $0xFFFFE000, s11;
	[sflag:s22] =	ssyncadd.s32 $0xFFFFC000  }
0x24: {  	[hbm4b:s16+s3] =	stream.linear.scatter [tilespmem:s14], [sflag:$0x6], $0x4000, $0x38;
	[tilespmem:$0x1A400] =	vst v63  }
0x25: {  	_ =	swait.ge [sflag:s23], $0x4000  }
0x26: {  	[sflag:s23] =	ssyncset.done $0x0  }
0x27: {  	s20 =	simm.s32 $0x280;
	[sflag:s23] =	ssyncadd.s32 $0xFFFFC000  }
0x28: {  	[tilespmem:s14], [sflag:$0x1] =	stream.indirect.gather [hbm4b:s2+s13], $0x80, s20, s13, $0xb8;
	[tilespmem:$0x1A400] =	vst v63  }
0x29: {  	_ =	swait.ge [sflag:s24], $0x4000  }
0x2a: {  	[sflag:s24] =	ssyncset.done $0x0  }
0x2b: {  	s4 =	sadd.s32 $0xFFFFE800, s11;
	[sflag:s24] =	ssyncadd.s32 $0xFFFFC000  }
0x2c: {  	[hbm4b:s4+s3] =	stream.linear.scatter [tilespmem:s15], [sflag:$0x7], $0x4000, $0x38;
	[tilespmem:$0x1A400] =	vst v63  }
0x2d: {  	_ =	swait.ge [sflag:s25], $0x4000  }
0x2e: {  	[sflag:s25] =	ssyncset.done $0x0  }
0x2f: {  	s18 =	simm.s32 $0x300;
	[sflag:s25] =	ssyncadd.s32 $0xFFFFC000  }
0x30: {  	[tilespmem:s15], [sflag:$0x2] =	stream.indirect.gather [hbm4b:s2+s13], $0x80, s18, s13, $0xb8;
	[tilespmem:$0x1A400] =	vst v63  }
0x31: {  	_ =	swait.ge [sflag:s26], $0x4000  }
0x32: {  	[sflag:s26] =	ssyncset.done $0x0  }
0x33: {  	s20 =	sadd.s32 $0xFFFFF000, s11;
	[sflag:s26] =	ssyncadd.s32 $0xFFFFC000  }
0x34: {  	[hbm4b:s20+s3] =	stream.linear.scatter [tilespmem:s17], [sflag:$0x8], $0x4000, $0x38;
	[tilespmem:$0x1A400] =	vst v63  }
0x35: {  	_ =	swait.ge [sflag:s28], $0x4000  }
0x36: {  	[sflag:s28] =	ssyncset.done $0x0  }
0x37: {  	s4 =	simm.s32 $0x380;
	[sflag:s28] =	ssyncadd.s32 $0xFFFFC000  }
0x38: {  	[tilespmem:s17], [sflag:$0x3] =	stream.indirect.gather [hbm4b:s2+s13], $0x80, s4, s13, $0xb8;
	[tilespmem:$0x1A400] =	vst v63  }
0x39: {  	_ =	swait.ge [sflag:s29], $0x4000  }
0x3a: {  	[sflag:s29] =	ssyncset.done $0x0  }
0x3b: {  	s18 =	sadd.s32 $0xFFFFF800, s11;
	[sflag:s29] =	ssyncadd.s32 $0xFFFFC000  }
0x3c: {  	[hbm4b:s18+s3] =	stream.linear.scatter [tilespmem:s19], [sflag:$0x9], $0x4000, $0x38;
	[tilespmem:$0x1A400] =	vst v63  }
0x3d: {  	_ =	swait.ge [sflag:s30], $0x4000  }
0x3e: {  	[sflag:s30] =	ssyncset.done $0x0  }
0x3f: {  	s20 =	simm.s32 $0x400;
	[sflag:s30] =	ssyncadd.s32 $0xFFFFC000  }
0x40: {  	[tilespmem:s19], [sflag:$0x4] =	stream.indirect.gather [hbm4b:s2+s13], $0x80, s20, s13, $0xb8;
	[tilespmem:$0x1A400] =	vst v63  }
0x41: {  	_ =	swait.ge [sflag:s31], $0x4000  }
0x42: {  	[sflag:s31] =	ssyncset.done $0x0  }
0x43: {  	[sflag:s31] =	ssyncadd.s32 $0xFFFFC000  }
0x44: {  	[hbm4b:s11+s3] =	stream.linear.scatter [tilespmem:s21], [sflag:$0xA], $0x4000, $0x38;
	[tilespmem:$0x1A400] =	vst v63  }
0x45: {  	_ =	swait.ge [sflag:s1], $0x4000  }
0x46: {  	s16 =	simm.s32 $0xA00;
	[sflag:s1] =	ssyncset.done $0x0  }
0x47: {  	s18 =	sadd.s32 $0x2800, s11;
	s20 =	simm.s32 $0x480;
	[sflag:s1] =	ssyncadd.s32 $0xFFFFC000  }
.LBB2_2:
0x48: {  	[tilespmem:s21], [sflag:$0x5] =	stream.indirect.gather [hbm4b:s2+s13], $0x80, s20, s13, $0xb8;
	[tilespmem:$0x1A400] =	vst v63  }
0x49: {  	s20 =	smov.u32 s16  }
0x4a: {  	p0 =	sne.s32 s16, $0x17C00;
	s16 =	sadd.s32 $0xA00, s16;
	_ =	swait.ge [sflag:s22], $0x4000  }
0x4b: {  	[sflag:s22] =	ssyncset.done $0x0  }
0x4c: {  	s4 =	sadd.s32 $0xFFFFE000, s18;
	[sflag:s22] =	ssyncadd.s32 $0xFFFFC000  }
0x4d: {  	[hbm4b:s4+s3] =	stream.linear.scatter [tilespmem:s14], [sflag:$0x6], $0x4000, $0x38;
	[tilespmem:$0x1A400] =	vst v63  }
0x4e: {  	_ =	swait.ge [sflag:s23], $0x4000  }
0x4f: {  	s20 =	sshra.s32 s20, $0x2;
	[sflag:s23] =	ssyncset.done $0x0  }
0x50: {  	s4 =	sadd.s32 $0x280, s20;
	[sflag:s23] =	ssyncadd.s32 $0xFFFFC000  }
0x51: {  	[tilespmem:s14], [sflag:$0x1] =	stream.indirect.gather [hbm4b:s2+s13], $0x80, s4, s13, $0xb8;
	[tilespmem:$0x1A400] =	vst v63  }
0x52: {  	_ =	swait.ge [sflag:s24], $0x4000  }
0x53: {  	[sflag:s24] =	ssyncset.done $0x0  }
0x54: {  	s4 =	sadd.s32 $0xFFFFE800, s18;
	[sflag:s24] =	ssyncadd.s32 $0xFFFFC000  }
0x55: {  	[hbm4b:s4+s3] =	stream.linear.scatter [tilespmem:s15], [sflag:$0x7], $0x4000, $0x38;
	[tilespmem:$0x1A400] =	vst v63  }
0x56: {  	_ =	swait.ge [sflag:s25], $0x4000  }
0x57: {  	[sflag:s25] =	ssyncset.done $0x0  }
0x58: {  	s4 =	sadd.s32 $0x300, s20;
	[sflag:s25] =	ssyncadd.s32 $0xFFFFC000  }
0x59: {  	[tilespmem:s15], [sflag:$0x2] =	stream.indirect.gather [hbm4b:s2+s13], $0x80, s4, s13, $0xb8;
	[tilespmem:$0x1A400] =	vst v63  }
0x5a: {  	_ =	swait.ge [sflag:s26], $0x4000  }
0x5b: {  	[sflag:s26] =	ssyncset.done $0x0  }
0x5c: {  	s4 =	sadd.s32 $0xFFFFF000, s18;
	[sflag:s26] =	ssyncadd.s32 $0xFFFFC000  }
0x5d: {  	[hbm4b:s4+s3] =	stream.linear.scatter [tilespmem:s17], [sflag:$0x8], $0x4000, $0x38;
	[tilespmem:$0x1A400] =	vst v63  }
0x5e: {  	_ =	swait.ge [sflag:s28], $0x4000  }
0x5f: {  	[sflag:s28] =	ssyncset.done $0x0  }
0x60: {  	s4 =	sadd.s32 $0x380, s20;
	[sflag:s28] =	ssyncadd.s32 $0xFFFFC000  }
0x61: {  	[tilespmem:s17], [sflag:$0x3] =	stream.indirect.gather [hbm4b:s2+s13], $0x80, s4, s13, $0xb8;
	[tilespmem:$0x1A400] =	vst v63  }
0x62: {  	_ =	swait.ge [sflag:s29], $0x4000  }
0x63: {  	[sflag:s29] =	ssyncset.done $0x0  }
0x64: {  	s4 =	sadd.s32 $0xFFFFF800, s18;
	[sflag:s29] =	ssyncadd.s32 $0xFFFFC000  }
0x65: {  	[hbm4b:s4+s3] =	stream.linear.scatter [tilespmem:s19], [sflag:$0x9], $0x4000, $0x38;
	[tilespmem:$0x1A400] =	vst v63  }
0x66: {  	_ =	swait.ge [sflag:s30], $0x4000  }
0x67: {  	[sflag:s30] =	ssyncset.done $0x0  }
0x68: {  	s4 =	sadd.s32 $0x400, s20;
	[sflag:s30] =	ssyncadd.s32 $0xFFFFC000  }
0x69: {  	[tilespmem:s19], [sflag:$0x4] =	stream.indirect.gather [hbm4b:s2+s13], $0x80, s4, s13, $0xb8;
	[tilespmem:$0x1A400] =	vst v63  }
0x6a: {  	_ =	swait.ge [sflag:s31], $0x4000  }
0x6b: {  	[sflag:s31] =	ssyncset.done $0x0  }
.Ltmp0:
0x6c: {  	[sflag:s31] =	ssyncadd.s32 $0xFFFFC000;
	(pc) =	sbr.rel @p0 .LBB2_2-.Ltmp0, $4  }
0x6d: {  	[hbm4b:s18+s3] =	stream.linear.scatter [tilespmem:s21], [sflag:$0xA], $0x4000, $0x38;
	[tilespmem:$0x1A400] =	vst v63  }
0x6e: {  	_ =	swait.ge [sflag:s1], $0x4000  }
0x6f: {  	[sflag:s1] =	ssyncset.done $0x0  }
0x70: {  	s20 =	sadd.s32 $0x480, s20;
	s18 =	sadd.s32 $0x2800, s18;
	[sflag:s1] =	ssyncadd.s32 $0xFFFFC000  }
0x71: {  	[tilespmem:s21], [sflag:$0x5] =	stream.indirect.gather [hbm4b:s2+s13], $0x80, s20, s13, $0xb8;
	[tilespmem:$0x1A400] =	vst v63  }
0x72: {  	_ =	swait.ge [sflag:s22], $0x4000  }
0x73: {  	[sflag:s22] =	ssyncset.done $0x0  }
0x74: {  	[sflag:s22] =	ssyncadd.s32 $0xFFFFC000  }
0x75: {  	[hbm4b:s5+s3] =	stream.linear.scatter [tilespmem:s14], [sflag:$0x6], $0x4000, $0x38;
	[tilespmem:$0x1A400] =	vst v63  }
0x76: {  	_ =	swait.ge [sflag:s24], $0x4000  }
0x77: {  	[sflag:s24] =	ssyncset.done $0x0  }
0x78: {  	[sflag:s24] =	ssyncadd.s32 $0xFFFFC000  }
0x79: {  	[hbm4b:s6+s3] =	stream.linear.scatter [tilespmem:s15], [sflag:$0x7], $0x4000, $0x38;
	[tilespmem:$0x1A400] =	vst v63  }
0x7a: {  	_ =	swait.ge [sflag:s26], $0x4000  }
0x7b: {  	[sflag:s26] =	ssyncset.done $0x0  }
0x7c: {  	[sflag:s26] =	ssyncadd.s32 $0xFFFFC000  }
0x7d: {  	[hbm4b:s7+s3] =	stream.linear.scatter [tilespmem:s17], [sflag:$0x8], $0x4000, $0x38;
	[tilespmem:$0x1A400] =	vst v63  }
0x7e: {  	_ =	swait.ge [sflag:s29], $0x4000  }
0x7f: {  	[sflag:s29] =	ssyncset.done $0x0  }
0x80: {  	[sflag:s29] =	ssyncadd.s32 $0xFFFFC000  }
0x81: {  	[hbm4b:s8+s3] =	stream.linear.scatter [tilespmem:s19], [sflag:$0x9], $0x4000, $0x38;
	[tilespmem:$0x1A400] =	vst v63  }
0x82: {  	_ =	swait.ge [sflag:s31], $0x4000  }
0x83: {  	[sflag:s31] =	ssyncset.done $0x0  }
0x84: {  	[sflag:s31] =	ssyncadd.s32 $0xFFFFC000  }
0x85: {  	[hbm4b:s9+s3] =	stream.linear.scatter [tilespmem:s21], [sflag:$0xA], $0x4000, $0x38;
	[tilespmem:$0x1A400] =	vst v63  }
0x86: {  	_ =	swait.ge [sflag:s23], $0x4000  }
0x87: {  	[sflag:s23] =	ssyncset.done $0x0  }
0x88: {  	[sflag:s23] =	ssyncadd.s32 $0xFFFFC000  }
0x89: {  	_ =	swait.ge [sflag:s25], $0x4000  }
0x8a: {  	[sflag:s25] =	ssyncset.done $0x0  }
0x8b: {  	[sflag:s25] =	ssyncadd.s32 $0xFFFFC000  }
0x8c: {  	_ =	swait.ge [sflag:s28], $0x4000  }
0x8d: {  	[sflag:s28] =	ssyncset.done $0x0  }
0x8e: {  	s0 =	sadd.s32 $0x1, s0;
	[sflag:s28] =	ssyncadd.s32 $0xFFFFC000  }
0x8f: {  	p0 =	sne.s32 s0, s10;
	_ =	swait.ge [sflag:s30], $0x4000  }
.Ltmp1:
0x90: {  	[sflag:s30] =	ssyncset.done $0x0;
	(pc) =	sbr.rel @p0 .LBB2_1-.Ltmp1, $4  }
0x91: {  	[sflag:s30] =	ssyncadd.s32 $0xFFFFC000  }
0x92: {  	_ =	swait.ge [sflag:s1], $0x4000  }
0x93: {  	[sflag:s1] =	ssyncset.done $0x0  }
0x94: {  	[sflag:s1] =	ssyncadd.s32 $0xFFFFC000  }
0x95: {  	_ =	sfence.sel $0x180000  }
0x96: {  	[bflag:$0x0] =	sbarrier.arrive $0xFFFF  }
0x97: {  	_ =	strace $0x90000047  }
0x98: {  	s0 =	stileid.u32;
	[bflag:$0x2] =	sbarrier.arrive $0xFFFF  }
0x99: {  	p0 =	sne.s32 s0, $0x0;
	s0 =	rddreg [dreg:$0x3]  }
0x9a: {  	s0 =	sadd.s32 @!p0 $0x100000, s0  }
0x9b: {  	[sflag:s0] =	ssyncadd.tile.s32 @!p0 $0x1;
	_ =	shalt  }
.Lfunc_end2:
_tile_overlayer_lowered:
.L_overlay_start_2:
0x9c: {  	(tag) =	ssettag $0x2  }
0x9d: {  	s0 =	rddreg [dreg:$0x0];
	s2 =	stileid.u32  }
0x9e: {  	s1 =	rddreg [dreg:$0x1];
	p0 =	sne.s32 s2, $0x0  }
0x9f: {  	s3 =	rddreg [dreg:$0x2];
	[bflag:$0x3] =	sbarrier.arrive $0xFFFF;
	s2 =	simm.s32 @!p0 $0x1C0B  }
0xa0: {  	[timem:s3], [sflag:s2] =	dma.local @!p0 [hbm:s0], s1  }
0xa1: {  	s0 =	simm.s32 @!p0 $0xB  }
0xa2: {  	_ =	swait.ge @!p0 [sflag:s0], s1  }
0xa3: {  	s1 =	ssub.s32 @!p0 $0x0, s1;
	[sflag:s0] =	ssyncset.done @!p0 $0x0  }
0xa4: {  	[sflag:s0] =	ssyncadd.s32 @!p0 s1  }
0xa5: {  	[bflag:$0x3] =	sbarrier.arrive $0xFFFF  }
0xa6: {  	_ =	shalt  }

</sc_bundles>
